<compile_context>
chip_gen: v7x
topology: tpu7x:2x2x1
jax: 0.10.2.dev20260603
libtpu: 0.0.44.dev20260713+nightly
codegen_flags: <defaults>
</compile_context>

<pallas_src>
import functools

import jax
import jax.numpy as jnp
from jax import lax
from jax.experimental import pallas as pl
from jax.experimental.pallas import tpu as pltpu
from jax.experimental.pallas import tpu_sc as plsc

B, N, IN_C, OUT_C, NB, KS = 4, 4096, 64, 64, 20, 8
BN = B * N
Q = 256
P_AGG = 256
NW = 32
CH = 128



def _knn_body(q_ref, c_ref, o_ref):
    b = pl.program_id(0)
    q = q_ref[0]
    c = c_ref[0]
    dn = (((0,), (0,)), ((), ()))
    qc = lax.dot_general(q, c, dn, preferred_element_type=jnp.float32)
    qq = lax.dot_general(q * q, jnp.ones((3, 1), jnp.float32), dn,
                         preferred_element_type=jnp.float32)
    cc = jnp.sum(c * c, axis=0, keepdims=True)
    vals = 2.0 * qc - qq - cc
    iota = lax.broadcasted_iota(jnp.int32, (Q, N), 1)
    cols = []
    for _ in range(NB):
        m = jnp.max(vals, axis=1, keepdims=True)
        mi = jnp.where(vals == m, iota, N)
        am = jnp.min(mi, axis=1, keepdims=True)
        cols.append(am)
        vals = jnp.where(mi == am, jnp.float32(-jnp.inf), vals)
    o_ref[0] = jnp.concatenate(cols, axis=1) + b * N


def _knn(x):
    return pl.pallas_call(
        _knn_body,
        grid=(B, N // Q),
        in_specs=[
            pl.BlockSpec((1, 3, Q), lambda b, i: (b, 0, i)),
            pl.BlockSpec((1, 3, N), lambda b, i: (b, 0, 0)),
        ],
        out_specs=pl.BlockSpec((1, Q, NB), lambda b, i: (b, i, 0)),
        out_shape=jax.ShapeDtypeStruct((B, N, NB), jnp.int32),
    )(x, x)



def _sc_gather(tab, fidx):
    per_w = (BN * NB) // NW
    steps = per_w // CH
    mesh = plsc.VectorSubcoreMesh(core_axis_name="c", subcore_axis_name="s")

    @functools.partial(
        pl.kernel, mesh=mesh,
        out_type=jax.ShapeDtypeStruct((BN * NB, 128), jnp.float32),
        scratch_types=[
            pltpu.VMEM((CH,), jnp.int32),
            pltpu.VMEM((CH, 128), jnp.float32),
            pltpu.SemaphoreType.DMA,
        ],
    )
    def gather_k(tab_h, idx_h, g_h, idx_v, fbuf, s1):
        wid = lax.axis_index("s") * 2 + lax.axis_index("c")

        def body(t, carry):
            base = wid * per_w + t * CH
            pltpu.sync_copy(idx_h.at[pl.ds(base, CH)], idx_v)
            pltpu.async_copy(tab_h.at[idx_v], fbuf, s1).wait()
            pltpu.sync_copy(fbuf, g_h.at[pl.ds(base, CH)])
            return carry

        lax.fori_loop(0, steps, body, 0)

    return gather_k(tab, fidx)



def _agg_body(g_ref, kern_ref, op_ref, w1_ref, w2_ref, cb_ref, o_ref):
    kern = kern_ref[...]
    opt = op_ref[...]
    rel, cent = [], []
    for d in range(3):
        cols = [g_ref[:, j * 128 + IN_C + d:j * 128 + IN_C + d + 1] for j in range(NB)]
        row = jnp.concatenate(cols, axis=1)
        c0 = row[:, 0:1]
        cent.append(c0)
        rel.append(row - c0)
    dis = jnp.sqrt(rel[0] * rel[0] + rel[1] * rel[1] + rel[2] * rel[2] + 1e-12)
    ones = jnp.ones_like(dis)
    shape = dis.shape
    xf = [jnp.broadcast_to(cent[0], shape), jnp.broadcast_to(cent[1], shape),
          jnp.broadcast_to(cent[2], shape), rel[0], rel[1], rel[2], dis, ones]
    xf_cat = jnp.concatenate(xf, axis=1)

    relb = [r.astype(jnp.bfloat16).astype(jnp.float32) for r in rel]
    kernb = kern.astype(jnp.bfloat16).astype(jnp.float32)
    a_ks = []
    for k in range(KS):
        a = (relb[0] * kernb[0:1, k:k + 1] + relb[1] * kernb[1:2, k:k + 1]
             + relb[2] * kernb[2:3, k:k + 1] + opt[k:k + 1, :])
        a = jnp.maximum(a, 0.0)
        a = a / (jnp.sum(a, axis=1, keepdims=True) + 1e-6)
        a = a * a
        a = a / (jnp.sum(a, axis=1, keepdims=True) + 1e-6)
        a = jnp.where(a > 0.1, a, 0.0)
        a_ks.append(a)

    t_cat = jnp.concatenate(
        [xf_cat * jnp.concatenate([a_ks[k]] * 8, axis=1) for k in range(KS)],
        axis=1)

    accs = [None] * KS
    for j in range(NB):
        gj = g_ref[:, j * 128:j * 128 + IN_C]
        for k in range(KS):
            term = gj * a_ks[k][:, j:j + 1]
            accs[k] = term if accs[k] is None else accs[k] + term
    m_cat = jnp.concatenate(accs, axis=1)

    dn = (((1,), (0,)), ((), ()))
    out = lax.dot_general(m_cat, w1_ref[...], dn, preferred_element_type=jnp.float32)
    out = out + lax.dot_general(t_cat, w2_ref[...], dn, preferred_element_type=jnp.float32)
    o_ref[...] = out + cb_ref[...]


def _agg(gm, kernals, op_t, w1, w2e, cb):
    return pl.pallas_call(
        _agg_body,
        grid=(BN // P_AGG,),
        in_specs=[
            pl.BlockSpec((P_AGG, NB * 128), lambda i: (i, 0)),
            pl.BlockSpec((3, KS), lambda i: (0, 0)),
            pl.BlockSpec((KS, NB), lambda i: (0, 0)),
            pl.BlockSpec((KS * IN_C, OUT_C), lambda i: (0, 0)),
            pl.BlockSpec((KS * 8 * NB, OUT_C), lambda i: (0, 0)),
            pl.BlockSpec((1, OUT_C), lambda i: (0, 0)),
        ],
        out_specs=pl.BlockSpec((P_AGG, OUT_C), lambda i: (i, 0)),
        out_shape=jax.ShapeDtypeStruct((BN, OUT_C), jnp.float32),
    )(gm, kernals, op_t, w1, w2e, cb)



def _bn_kernel(x_ref, g_ref, b_ref, o_ref):
    x = x_ref[...]
    mean = jnp.mean(x, axis=0, keepdims=True)
    var = jnp.mean((x - mean) ** 2, axis=0, keepdims=True)
    o_ref[...] = (x - mean) / jnp.sqrt(var + 1e-5) * g_ref[...] + b_ref[...]


def kernel(x, feature, mlp_w, mlp_b, conv_w, conv_b, kernals, one_padding, bn_gamma, bn_beta):
    fidx = _knn(x).reshape(-1)

    f_flat = jnp.transpose(feature, (0, 2, 1)).reshape(BN, IN_C)
    x_flat = jnp.transpose(x, (0, 2, 1)).reshape(BN, 3)
    tab = jnp.concatenate([f_flat, x_flat, jnp.zeros((BN, 128 - IN_C - 3), jnp.float32)], axis=1)

    g2 = _sc_gather(tab, fidx)
    gm = g2.reshape(BN, NB * 128)

    cw = conv_w.reshape(OUT_C, 2 * IN_C, KS)
    w1 = cw[:, :IN_C, :].transpose(2, 1, 0).reshape(KS * IN_C, OUT_C)
    mlp_aug = jnp.concatenate([mlp_w, mlp_b[:, None]], axis=1)
    w2 = jnp.einsum('oik,iq->kqo', cw[:, IN_C:, :], mlp_aug)
    w2e = jnp.broadcast_to(w2[:, :, None, :], (KS, 8, NB, OUT_C)).reshape(KS * 8 * NB, OUT_C)
    op_t = one_padding.T

    raw = _agg(gm, kernals, op_t, w1, w2e, conv_b[None, :])

    out = pl.pallas_call(
        _bn_kernel,
        out_shape=jax.ShapeDtypeStruct((BN, OUT_C), jnp.float32),
    )(raw, bn_gamma[None, :], bn_beta[None, :])

    return jnp.transpose(out.reshape(B, N, OUT_C), (0, 2, 1))

# --- scband reference (transcript-rebuilt; emitter-appended) ---
"""Pipeline reference for scband-pai-conv-77429670412665 (READ-ONLY COPY).

The authoritative reference and input builder live on the scoring server;
editing this copy changes nothing except your own understanding.
"""

import jax, jax.numpy as jnp
import numpy as np

B, N, IN_C, OUT_C, NB, KS = 4, 4096, 64, 64, 20, 8


def setup_inputs(seed: int = 0) -> dict:
    key = jax.random.key(seed)
    ks = jax.random.split(key, 8)
    x = jax.random.normal(ks[0], (B, 3, N), dtype=jnp.float32)
    feature = jax.random.normal(ks[1], (B, IN_C, N), dtype=jnp.float32)
    mlp_w = jax.random.normal(ks[2], (IN_C, 7), dtype=jnp.float32) * 0.1
    mlp_b = jnp.zeros((IN_C,), dtype=jnp.float32)
    conv_w = jax.random.normal(ks[3], (OUT_C, IN_C * 2 * KS), dtype=jnp.float32) * 0.02
    conv_b = jnp.zeros((OUT_C,), dtype=jnp.float32)
    kernals = jax.random.normal(ks[4], (3, KS), dtype=jnp.float32)
    one_padding = jnp.zeros((NB, KS), dtype=jnp.float32).at[0, 0].set(1.0)
    bn_gamma = jnp.ones((OUT_C,), dtype=jnp.float32)
    bn_beta = jnp.zeros((OUT_C,), dtype=jnp.float32)
    return {"x": x, "feature": feature, "mlp_w": mlp_w, "mlp_b": mlp_b,
            "conv_w": conv_w, "conv_b": conv_b, "kernals": kernals,
            "one_padding": one_padding, "bn_gamma": bn_gamma, "bn_beta": bn_beta}


def reference(x, feature, mlp_w, mlp_b, conv_w, conv_b, kernals, one_padding, bn_gamma, bn_beta):
    bsize, _, num_pts = x.shape
    feats = feature.shape[1]
    # knn over coordinates
    inner = -2.0 * jnp.einsum('bcn,bcm->bnm', x, x)
    xx = jnp.sum(x ** 2, axis=1, keepdims=True)  # [B,1,N]
    pairwise = -xx - inner - jnp.transpose(xx, (0, 2, 1))
    idx = jax.lax.top_k(pairwise, NB)[1]  # [B,N,NB]
    x_flat = jnp.transpose(x, (0, 2, 1)).reshape(bsize * num_pts, 3)
    idx_base = (jnp.arange(bsize) * num_pts)[:, None, None]
    flat_idx = (idx + idx_base).reshape(-1)
    x_spirals = jnp.take(x_flat, flat_idx, axis=0).reshape(bsize * num_pts, NB, 3)
    x_rel = x_spirals - x_spirals[:, 0:1, :]
    x_dis = jnp.sqrt(jnp.sum(x_rel ** 2, axis=-1, keepdims=True) + 1e-12)
    x_feats = jnp.concatenate([jnp.broadcast_to(x_spirals[:, 0:1, :], x_spirals.shape), x_rel, x_dis], axis=-1)  # [BN,NB,7]
    # 1x1 conv over 7 channels -> in_c channels
    x_feats = jnp.einsum('nkc,ic->nik', x_feats, mlp_w) + mlp_b[None, :, None]  # [BN,in_c,NB]
    f_flat = jnp.transpose(feature, (0, 2, 1)).reshape(bsize * num_pts, feats)
    spirals = jnp.transpose(jnp.take(f_flat, flat_idx, axis=0).reshape(bsize * num_pts, NB, feats), (0, 2, 1))  # [BN,feats,NB]
    spirals = jnp.concatenate([spirals, x_feats], axis=1)  # [BN,2*feats,NB]
    adjw = jnp.matmul(x_rel, kernals) + one_padding  # [BN,NB,KS]
    adjw = jnp.where(adjw > 0, adjw, 0.0)
    adjw = adjw / (jnp.sum(adjw, axis=1, keepdims=True) + 1e-6)
    adjw = adjw * adjw
    adjw = adjw / (jnp.sum(adjw, axis=1, keepdims=True) + 1e-6)
    adjw = jnp.where(adjw > 0.1, adjw, 0.0)
    spirals = jnp.matmul(spirals, adjw).reshape(bsize * num_pts, feats * 2 * KS)
    out = spirals @ conv_w.T + conv_b
    out = jnp.transpose(out.reshape(bsize, num_pts, OUT_C), (0, 2, 1))  # [B,out_c,N]
    # BatchNorm1d (training-mode batch stats)
    mean = jnp.mean(out, axis=(0, 2), keepdims=True)
    var = jnp.var(out, axis=(0, 2), keepdims=True)
    out = (out - mean) / jnp.sqrt(var + 1e-5) * bn_gamma[None, :, None] + bn_beta[None, :, None]
    return out

if __name__ == "__main__":
    import jax
    _d = setup_inputs()
    print(jax.jit(kernel)(*tuple(_d.values())))

</pallas_src>

<mosaic_0001>
#map = affine_map<(d0, d1) -> (0, 0)>
#map1 = affine_map<(d0, d1) -> (0)>
module attributes {stable_mosaic.version = 14 : i64} {
  func.func @gather_k(%arg0: i32, %arg1: i32, %arg2: memref<16384x128xf32, #tpu.memory_space<hbm>>, %arg3: memref<327680xi32, #tpu.memory_space<hbm>>, %arg4: memref<327680x128xf32, #tpu.memory_space<hbm>>, %arg5: memref<128xi32, #tpu.memory_space<vmem>>, %arg6: memref<128x128xf32, #tpu.memory_space<vmem>>, %arg7: memref<!tpu.dma_semaphore, #tpu.memory_space<semaphore_mem>>) attributes {dimension_semantics = [#tpu.dimension_semantics<core_parallel>, #tpu.dimension_semantics<subcore_parallel>], iteration_bounds = array<i64: 2, 16>, scalar_prefetch = 0 : i64, scratch_operands = 3 : i64, tpu.core_type = #tpu.core_type<sc_vector_subcore>, window_params = [{transform_indices = #map}, {transform_indices = #map1}, {transform_indices = #map}]} {
    %mul3A = arith.constant 2 : i32
    %mul3A_0 = arith.muli %arg1, %mul3A : i32
    %add3A = arith.addi %mul3A_0, %arg0 : i32
    %scan3A = arith.constant 0 : i32
    %scan3A_1 = arith.constant 0 : i32
    %scan3A_2 = arith.constant 80 : i32
    %scan3A_3 = arith.addi %scan3A_1, %scan3A_2 : i32
    %scan3A_4 = arith.constant 1 : i32
    scf.for %scan3A_6 = %scan3A_1 to %scan3A_3 step %scan3A_4  : i32 {
      %mul3A_7 = arith.constant 10240 : i32
      %mul3A_8 = arith.muli %add3A, %mul3A_7 : i32
      %mul3A_9 = arith.constant 128 : i32
      %mul3A_10 = arith.muli %scan3A_6, %mul3A_9 : i32
      %add3A_11 = arith.addi %mul3A_8, %mul3A_10 : i32
      "tpu.region"() ({
        %run_scoped3A = tpu.sem_alloc : memref<!tpu.dma_semaphore, #tpu.memory_space<semaphore_mem>>
        %dma_start3A_16 = tpu.memref_slice %arg3[%add3A_11] : memref<327680xi32, #tpu.memory_space<hbm>> -> memref<128xi32, #tpu.memory_space<hbm>>
        %dma_start3A_17 = tpu.memref_slice %arg3[%add3A_11] : memref<327680xi32, #tpu.memory_space<hbm>> -> memref<128xi32, #tpu.memory_space<hbm>>
        tpu.enqueue_dma source(%dma_start3A_17 : memref<128xi32, #tpu.memory_space<hbm>>) target(%arg5 : memref<128xi32, #tpu.memory_space<vmem>>) target_semaphore(%run_scoped3A : memref<!tpu.dma_semaphore, #tpu.memory_space<semaphore_mem>>)
        %dma_wait3A_18 = tpu.memref_slice %arg3[%add3A_11] : memref<327680xi32, #tpu.memory_space<hbm>> -> memref<128xi32, #tpu.memory_space<hbm>>
        %dma_wait3A_19 = tpu.memref_slice %arg3[%add3A_11] : memref<327680xi32, #tpu.memory_space<hbm>> -> memref<128xi32, #tpu.memory_space<hbm>>
        tpu.wait_dma2 semaphore(%run_scoped3A : memref<!tpu.dma_semaphore, #tpu.memory_space<semaphore_mem>>) src(%dma_wait3A_19 : memref<128xi32, #tpu.memory_space<hbm>>) dst(%arg5 : memref<128xi32, #tpu.memory_space<vmem>>)
        tpu.yield
      }) : () -> ()
      %dma_start3A = arith.constant 0 : i32
      %dma_start3A_12 = arith.constant 0 : i32
      %dma_start3A_13 = tpu.memref_slice %arg2[%dma_start3A, %dma_start3A_12] : memref<16384x128xf32, #tpu.memory_space<hbm>> -> memref<16384x128xf32, #tpu.memory_space<hbm>>
      tpu.enqueue_indirect_dma source(%dma_start3A_13 : memref<16384x128xf32, #tpu.memory_space<hbm>>) target(%arg6 : memref<128x128xf32, #tpu.memory_space<vmem>>) offsets(%arg5 : memref<128xi32, #tpu.memory_space<vmem>>) semaphore(%arg7 : memref<!tpu.dma_semaphore, #tpu.memory_space<semaphore_mem>>)
      %dma_wait3A = arith.constant 0 : i32
      %dma_wait3A_14 = arith.constant 0 : i32
      %dma_wait3A_15 = tpu.memref_slice %arg2[%dma_wait3A, %dma_wait3A_14] : memref<16384x128xf32, #tpu.memory_space<hbm>> -> memref<16384x128xf32, #tpu.memory_space<hbm>>
      tpu.wait_indirect_dma semaphore(%arg7 : memref<!tpu.dma_semaphore, #tpu.memory_space<semaphore_mem>>) src(%dma_wait3A_15 : memref<16384x128xf32, #tpu.memory_space<hbm>>) dst(%arg6 : memref<128x128xf32, #tpu.memory_space<vmem>>)
      "tpu.region"() ({
        %run_scoped3A = tpu.sem_alloc : memref<!tpu.dma_semaphore, #tpu.memory_space<semaphore_mem>>
        %dma_start3A_16 = arith.constant 0 : i32
        %dma_start3A_17 = tpu.memref_slice %arg4[%add3A_11, %dma_start3A_16] : memref<327680x128xf32, #tpu.memory_space<hbm>> -> memref<128x128xf32, #tpu.memory_space<hbm>>
        %dma_start3A_18 = arith.constant 0 : i32
        %dma_start3A_19 = tpu.memref_slice %arg4[%add3A_11, %dma_start3A_18] : memref<327680x128xf32, #tpu.memory_space<hbm>> -> memref<128x128xf32, #tpu.memory_space<hbm>>
        tpu.enqueue_dma source(%arg6 : memref<128x128xf32, #tpu.memory_space<vmem>>) target(%dma_start3A_19 : memref<128x128xf32, #tpu.memory_space<hbm>>) target_semaphore(%run_scoped3A : memref<!tpu.dma_semaphore, #tpu.memory_space<semaphore_mem>>)
        %dma_wait3A_20 = arith.constant 0 : i32
        %dma_wait3A_21 = tpu.memref_slice %arg4[%add3A_11, %dma_wait3A_20] : memref<327680x128xf32, #tpu.memory_space<hbm>> -> memref<128x128xf32, #tpu.memory_space<hbm>>
        %dma_wait3A_22 = arith.constant 0 : i32
        %dma_wait3A_23 = tpu.memref_slice %arg4[%add3A_11, %dma_wait3A_22] : memref<327680x128xf32, #tpu.memory_space<hbm>> -> memref<128x128xf32, #tpu.memory_space<hbm>>
        tpu.wait_dma2 semaphore(%run_scoped3A : memref<!tpu.dma_semaphore, #tpu.memory_space<semaphore_mem>>) src(%arg6 : memref<128x128xf32, #tpu.memory_space<vmem>>) dst(%dma_wait3A_23 : memref<128x128xf32, #tpu.memory_space<hbm>>)
        tpu.yield
      }) : () -> ()
    }
    %scan3A_5 = arith.constant 80 : i32
    return
  }
}

module attributes {stable_mosaic.version = 14 : i64} {
  func.func @_knn_body(%arg0: i32, %arg1: i32, %arg2: memref<1x3x256xf32, #tpu.memory_space<vmem>>, %arg3: memref<1x3x4096xf32, #tpu.memory_space<vmem>>, %arg4: memref<1x256x20xi32, #tpu.memory_space<vmem>>) attributes {dimension_semantics = [#tpu.dimension_semantics<arbitrary>, #tpu.dimension_semantics<arbitrary>], iteration_bounds = array<i64: 4, 16>, scalar_prefetch = 0 : i64, scratch_operands = 0 : i64, tpu.core_type = #tpu.core_type<tc>, window_params = [{transform_indices = @transform_0, window_bounds = array<i64: 1, 3, 256>}, {transform_indices = @transform_1, window_bounds = array<i64: 1, 3, 4096>}, {transform_indices = @transform_2, window_bounds = array<i64: 1, 256, 20>}]} {
    %get3A = arith.constant 0 : index
    %get3A_0 = arith.constant 0 : index
    %get3A_1 = arith.constant 0 : index
    %get3A_2 = vector.load %arg2[%get3A, %get3A_0, %get3A_1] : memref<1x3x256xf32, #tpu.memory_space<vmem>>, vector<1x3x256xf32>
    %get3A_3 = vector.shape_cast %get3A_2 : vector<1x3x256xf32> to vector<3x256xf32>
    %get3A_4 = arith.constant 0 : index
    %get3A_5 = arith.constant 0 : index
    %get3A_6 = arith.constant 0 : index
    %get3A_7 = vector.load %arg3[%get3A_4, %get3A_5, %get3A_6] : memref<1x3x4096xf32, #tpu.memory_space<vmem>>, vector<1x3x4096xf32>
    %get3A_8 = vector.shape_cast %get3A_7 : vector<1x3x4096xf32> to vector<3x4096xf32>
    %dot_general3A = arith.constant dense<0.000000e+00> : vector<256x4096xf32>
    %dot_general3A_9 = tpu.matmul %get3A_3, %get3A_8, %dot_general3A {dimension_numbers = #tpu.dot_dimension_numbers<[0], [0], [1], [1], [0, 1, 1, 1], [], []>, transpose_lhs_hint = false} : vector<3x256xf32>, vector<3x4096xf32>, vector<256x4096xf32> -> vector<256x4096xf32>
    %mul3A = arith.mulf %get3A_3, %get3A_3 : vector<3x256xf32>
    %broadcast_in_dim3A = arith.constant 1.000000e+00 : f32
    %broadcast_in_dim3A_10 = vector.broadcast %broadcast_in_dim3A : f32 to vector<3x1xf32>
    %dot_general3A_11 = arith.constant dense<0.000000e+00> : vector<256x1xf32>
    %dot_general3A_12 = tpu.matmul %mul3A, %broadcast_in_dim3A_10, %dot_general3A_11 {dimension_numbers = #tpu.dot_dimension_numbers<[0], [0], [1], [1], [0, 1, 1, 1], [], []>, transpose_lhs_hint = false} : vector<3x256xf32>, vector<3x1xf32>, vector<256x1xf32> -> vector<256x1xf32>
    %mul3A_13 = arith.mulf %get3A_8, %get3A_8 : vector<3x4096xf32>
    %reduce_sum3A = arith.constant dense<0.000000e+00> : vector<4096xf32>
    %reduce_sum3A_14 = vector.multi_reduction <add>, %mul3A_13, %reduce_sum3A [0] : vector<3x4096xf32> to vector<4096xf32>
    %broadcast_in_dim3A_15 = vector.shape_cast %reduce_sum3A_14 : vector<4096xf32> to vector<1x4096xf32>
    %mul3A_16 = arith.constant 2.000000e+00 : f32
    %mul3A_17 = vector.broadcast %mul3A_16 : f32 to vector<256x4096xf32>
    %mul3A_18 = arith.mulf %mul3A_17, %dot_general3A_9 : vector<256x4096xf32>
    %sub3A = vector.broadcast %dot_general3A_12 : vector<256x1xf32> to vector<256x4096xf32>
    %sub3A_19 = arith.subf %mul3A_18, %sub3A : vector<256x4096xf32>
    %sub3A_20 = vector.broadcast %broadcast_in_dim3A_15 : vector<1x4096xf32> to vector<256x4096xf32>
    %sub3A_21 = arith.subf %sub3A_19, %sub3A_20 : vector<256x4096xf32>
    %iota3A = tpu.iota {dimensions = array<i32: 1>} : vector<256x4096xi32>
    %reduce_max3A = arith.constant dense<0xFF800000> : vector<256xf32>
    %reduce_max3A_22 = vector.multi_reduction <maximumf>, %sub3A_21, %reduce_max3A [1] : vector<256x4096xf32> to vector<256xf32>
    %broadcast_in_dim3A_23 = vector.shape_cast %reduce_max3A_22 : vector<256xf32> to vector<256x1xf32>
    %eq3A = vector.broadcast %broadcast_in_dim3A_23 : vector<256x1xf32> to vector<256x4096xf32>
    %eq3A_24 = arith.cmpf oeq, %sub3A_21, %eq3A : vector<256x4096xf32>
    %jit3A = arith.constant 4096 : i32
    %broadcast_in_dim3A_25 = vector.broadcast %jit3A : i32 to vector<256x4096xi32>
    %select_n3A = arith.select %eq3A_24, %iota3A, %broadcast_in_dim3A_25 : vector<256x4096xi1>, vector<256x4096xi32>
    %reduce_min3A = arith.constant dense<2147483647> : vector<256xi32>
    %reduce_min3A_26 = vector.multi_reduction <minsi>, %select_n3A, %reduce_min3A [1] : vector<256x4096xi32> to vector<256xi32>
    %broadcast_in_dim3A_27 = vector.shape_cast %reduce_min3A_26 : vector<256xi32> to vector<256x1xi32>
    %eq3A_28 = vector.broadcast %broadcast_in_dim3A_27 : vector<256x1xi32> to vector<256x4096xi32>
    %eq3A_29 = arith.cmpi eq, %select_n3A, %eq3A_28 : vector<256x4096xi32>
    %jit3A_30 = arith.constant 0xFF800000 : f32
    %broadcast_in_dim3A_31 = vector.broadcast %jit3A_30 : f32 to vector<256x4096xf32>
    %select_n3A_32 = arith.select %eq3A_29, %broadcast_in_dim3A_31, %sub3A_21 : vector<256x4096xi1>, vector<256x4096xf32>
    %reduce_max3A_33 = arith.constant dense<0xFF800000> : vector<256xf32>
    %reduce_max3A_34 = vector.multi_reduction <maximumf>, %select_n3A_32, %reduce_max3A_33 [1] : vector<256x4096xf32> to vector<256xf32>
    %broadcast_in_dim3A_35 = vector.shape_cast %reduce_max3A_34 : vector<256xf32> to vector<256x1xf32>
    %eq3A_36 = vector.broadcast %broadcast_in_dim3A_35 : vector<256x1xf32> to vector<256x4096xf32>
    %eq3A_37 = arith.cmpf oeq, %select_n3A_32, %eq3A_36 : vector<256x4096xf32>
    %jit3A_38 = arith.constant 4096 : i32
    %broadcast_in_dim3A_39 = vector.broadcast %jit3A_38 : i32 to vector<256x4096xi32>
    %select_n3A_40 = arith.select %eq3A_37, %iota3A, %broadcast_in_dim3A_39 : vector<256x4096xi1>, vector<256x4096xi32>
    %reduce_min3A_41 = arith.constant dense<2147483647> : vector<256xi32>
    %reduce_min3A_42 = vector.multi_reduction <minsi>, %select_n3A_40, %reduce_min3A_41 [1] : vector<256x4096xi32> to vector<256xi32>
    %broadcast_in_dim3A_43 = vector.shape_cast %reduce_min3A_42 : vector<256xi32> to vector<256x1xi32>
    %eq3A_44 = vector.broadcast %broadcast_in_dim3A_43 : vector<256x1xi32> to vector<256x4096xi32>
    %eq3A_45 = arith.cmpi eq, %select_n3A_40, %eq3A_44 : vector<256x4096xi32>
    %jit3A_46 = arith.constant 0xFF800000 : f32
    %broadcast_in_dim3A_47 = vector.broadcast %jit3A_46 : f32 to vector<256x4096xf32>
    %select_n3A_48 = arith.select %eq3A_45, %broadcast_in_dim3A_47, %select_n3A_32 : vector<256x4096xi1>, vector<256x4096xf32>
    %reduce_max3A_49 = arith.constant dense<0xFF800000> : vector<256xf32>
    %reduce_max3A_50 = vector.multi_reduction <maximumf>, %select_n3A_48, %reduce_max3A_49 [1] : vector<256x4096xf32> to vector<256xf32>
    %broadcast_in_dim3A_51 = vector.shape_cast %reduce_max3A_50 : vector<256xf32> to vector<256x1xf32>
    %eq3A_52 = vector.broadcast %broadcast_in_dim3A_51 : vector<256x1xf32> to vector<256x4096xf32>
    %eq3A_53 = arith.cmpf oeq, %select_n3A_48, %eq3A_52 : vector<256x4096xf32>
    %jit3A_54 = arith.constant 4096 : i32
    %broadcast_in_dim3A_55 = vector.broadcast %jit3A_54 : i32 to vector<256x4096xi32>
    %select_n3A_56 = arith.select %eq3A_53, %iota3A, %broadcast_in_dim3A_55 : vector<256x4096xi1>, vector<256x4096xi32>
    %reduce_min3A_57 = arith.constant dense<2147483647> : vector<256xi32>
    %reduce_min3A_58 = vector.multi_reduction <minsi>, %select_n3A_56, %reduce_min3A_57 [1] : vector<256x4096xi32> to vector<256xi32>
    %broadcast_in_dim3A_59 = vector.shape_cast %reduce_min3A_58 : vector<256xi32> to vector<256x1xi32>
    %eq3A_60 = vector.broadcast %broadcast_in_dim3A_59 : vector<256x1xi32> to vector<256x4096xi32>
    %eq3A_61 = arith.cmpi eq, %select_n3A_56, %eq3A_60 : vector<256x4096xi32>
    %jit3A_62 = arith.constant 0xFF800000 : f32
    %broadcast_in_dim3A_63 = vector.broadcast %jit3A_62 : f32 to vector<256x4096xf32>
    %select_n3A_64 = arith.select %eq3A_61, %broadcast_in_dim3A_63, %select_n3A_48 : vector<256x4096xi1>, vector<256x4096xf32>
    %reduce_max3A_65 = arith.constant dense<0xFF800000> : vector<256xf32>
    %reduce_max3A_66 = vector.multi_reduction <maximumf>, %select_n3A_64, %reduce_max3A_65 [1] : vector<256x4096xf32> to vector<256xf32>
    %broadcast_in_dim3A_67 = vector.shape_cast %reduce_max3A_66 : vector<256xf32> to vector<256x1xf32>
    %eq3A_68 = vector.broadcast %broadcast_in_dim3A_67 : vector<256x1xf32> to vector<256x4096xf32>
    %eq3A_69 = arith.cmpf oeq, %select_n3A_64, %eq3A_68 : vector<256x4096xf32>
    %jit3A_70 = arith.constant 4096 : i32
    %broadcast_in_dim3A_71 = vector.broadcast %jit3A_70 : i32 to vector<256x4096xi32>
    %select_n3A_72 = arith.select %eq3A_69, %iota3A, %broadcast_in_dim3A_71 : vector<256x4096xi1>, vector<256x4096xi32>
    %reduce_min3A_73 = arith.constant dense<2147483647> : vector<256xi32>
    %reduce_min3A_74 = vector.multi_reduction <minsi>, %select_n3A_72, %reduce_min3A_73 [1] : vector<256x4096xi32> to vector<256xi32>
    %broadcast_in_dim3A_75 = vector.shape_cast %reduce_min3A_74 : vector<256xi32> to vector<256x1xi32>
    %eq3A_76 = vector.broadcast %broadcast_in_dim3A_75 : vector<256x1xi32> to vector<256x4096xi32>
    %eq3A_77 = arith.cmpi eq, %select_n3A_72, %eq3A_76 : vector<256x4096xi32>
    %jit3A_78 = arith.constant 0xFF800000 : f32
    %broadcast_in_dim3A_79 = vector.broadcast %jit3A_78 : f32 to vector<256x4096xf32>
    %select_n3A_80 = arith.select %eq3A_77, %broadcast_in_dim3A_79, %select_n3A_64 : vector<256x4096xi1>, vector<256x4096xf32>
    %reduce_max3A_81 = arith.constant dense<0xFF800000> : vector<256xf32>
    %reduce_max3A_82 = vector.multi_reduction <maximumf>, %select_n3A_80, %reduce_max3A_81 [1] : vector<256x4096xf32> to vector<256xf32>
    %broadcast_in_dim3A_83 = vector.shape_cast %reduce_max3A_82 : vector<256xf32> to vector<256x1xf32>
    %eq3A_84 = vector.broadcast %broadcast_in_dim3A_83 : vector<256x1xf32> to vector<256x4096xf32>
    %eq3A_85 = arith.cmpf oeq, %select_n3A_80, %eq3A_84 : vector<256x4096xf32>
    %jit3A_86 = arith.constant 4096 : i32
    %broadcast_in_dim3A_87 = vector.broadcast %jit3A_86 : i32 to vector<256x4096xi32>
    %select_n3A_88 = arith.select %eq3A_85, %iota3A, %broadcast_in_dim3A_87 : vector<256x4096xi1>, vector<256x4096xi32>
    %reduce_min3A_89 = arith.constant dense<2147483647> : vector<256xi32>
    %reduce_min3A_90 = vector.multi_reduction <minsi>, %select_n3A_88, %reduce_min3A_89 [1] : vector<256x4096xi32> to vector<256xi32>
    %broadcast_in_dim3A_91 = vector.shape_cast %reduce_min3A_90 : vector<256xi32> to vector<256x1xi32>
    %eq3A_92 = vector.broadcast %broadcast_in_dim3A_91 : vector<256x1xi32> to vector<256x4096xi32>
    %eq3A_93 = arith.cmpi eq, %select_n3A_88, %eq3A_92 : vector<256x4096xi32>
    %jit3A_94 = arith.constant 0xFF800000 : f32
    %broadcast_in_dim3A_95 = vector.broadcast %jit3A_94 : f32 to vector<256x4096xf32>
    %select_n3A_96 = arith.select %eq3A_93, %broadcast_in_dim3A_95, %select_n3A_80 : vector<256x4096xi1>, vector<256x4096xf32>
    %reduce_max3A_97 = arith.constant dense<0xFF800000> : vector<256xf32>
    %reduce_max3A_98 = vector.multi_reduction <maximumf>, %select_n3A_96, %reduce_max3A_97 [1] : vector<256x4096xf32> to vector<256xf32>
    %broadcast_in_dim3A_99 = vector.shape_cast %reduce_max3A_98 : vector<256xf32> to vector<256x1xf32>
    %eq3A_100 = vector.broadcast %broadcast_in_dim3A_99 : vector<256x1xf32> to vector<256x4096xf32>
    %eq3A_101 = arith.cmpf oeq, %select_n3A_96, %eq3A_100 : vector<256x4096xf32>
    %jit3A_102 = arith.constant 4096 : i32
    %broadcast_in_dim3A_103 = vector.broadcast %jit3A_102 : i32 to vector<256x4096xi32>
    %select_n3A_104 = arith.select %eq3A_101, %iota3A, %broadcast_in_dim3A_103 : vector<256x4096xi1>, vector<256x4096xi32>
    %reduce_min3A_105 = arith.constant dense<2147483647> : vector<256xi32>
    %reduce_min3A_106 = vector.multi_reduction <minsi>, %select_n3A_104, %reduce_min3A_105 [1] : vector<256x4096xi32> to vector<256xi32>
    %broadcast_in_dim3A_107 = vector.shape_cast %reduce_min3A_106 : vector<256xi32> to vector<256x1xi32>
    %eq3A_108 = vector.broadcast %broadcast_in_dim3A_107 : vector<256x1xi32> to vector<256x4096xi32>
    %eq3A_109 = arith.cmpi eq, %select_n3A_104, %eq3A_108 : vector<256x4096xi32>
    %jit3A_110 = arith.constant 0xFF800000 : f32
    %broadcast_in_dim3A_111 = vector.broadcast %jit3A_110 : f32 to vector<256x4096xf32>
    %select_n3A_112 = arith.select %eq3A_109, %broadcast_in_dim3A_111, %select_n3A_96 : vector<256x4096xi1>, vector<256x4096xf32>
    %reduce_max3A_113 = arith.constant dense<0xFF800000> : vector<256xf32>
    %reduce_max3A_114 = vector.multi_reduction <maximumf>, %select_n3A_112, %reduce_max3A_113 [1] : vector<256x4096xf32> to vector<256xf32>
    %broadcast_in_dim3A_115 = vector.shape_cast %reduce_max3A_114 : vector<256xf32> to vector<256x1xf32>
    %eq3A_116 = vector.broadcast %broadcast_in_dim3A_115 : vector<256x1xf32> to vector<256x4096xf32>
    %eq3A_117 = arith.cmpf oeq, %select_n3A_112, %eq3A_116 : vector<256x4096xf32>
    %jit3A_118 = arith.constant 4096 : i32
    %broadcast_in_dim3A_119 = vector.broadcast %jit3A_118 : i32 to vector<256x4096xi32>
    %select_n3A_120 = arith.select %eq3A_117, %iota3A, %broadcast_in_dim3A_119 : vector<256x4096xi1>, vector<256x4096xi32>
    %reduce_min3A_121 = arith.constant dense<2147483647> : vector<256xi32>
    %reduce_min3A_122 = vector.multi_reduction <minsi>, %select_n3A_120, %reduce_min3A_121 [1] : vector<256x4096xi32> to vector<256xi32>
    %broadcast_in_dim3A_123 = vector.shape_cast %reduce_min3A_122 : vector<256xi32> to vector<256x1xi32>
    %eq3A_124 = vector.broadcast %broadcast_in_dim3A_123 : vector<256x1xi32> to vector<256x4096xi32>
    %eq3A_125 = arith.cmpi eq, %select_n3A_120, %eq3A_124 : vector<256x4096xi32>
    %jit3A_126 = arith.constant 0xFF800000 : f32
    %broadcast_in_dim3A_127 = vector.broadcast %jit3A_126 : f32 to vector<256x4096xf32>
    %select_n3A_128 = arith.select %eq3A_125, %broadcast_in_dim3A_127, %select_n3A_112 : vector<256x4096xi1>, vector<256x4096xf32>
    %reduce_max3A_129 = arith.constant dense<0xFF800000> : vector<256xf32>
    %reduce_max3A_130 = vector.multi_reduction <maximumf>, %select_n3A_128, %reduce_max3A_129 [1] : vector<256x4096xf32> to vector<256xf32>
    %broadcast_in_dim3A_131 = vector.shape_cast %reduce_max3A_130 : vector<256xf32> to vector<256x1xf32>
    %eq3A_132 = vector.broadcast %broadcast_in_dim3A_131 : vector<256x1xf32> to vector<256x4096xf32>
    %eq3A_133 = arith.cmpf oeq, %select_n3A_128, %eq3A_132 : vector<256x4096xf32>
    %jit3A_134 = arith.constant 4096 : i32
    %broadcast_in_dim3A_135 = vector.broadcast %jit3A_134 : i32 to vector<256x4096xi32>
    %select_n3A_136 = arith.select %eq3A_133, %iota3A, %broadcast_in_dim3A_135 : vector<256x4096xi1>, vector<256x4096xi32>
    %reduce_min3A_137 = arith.constant dense<2147483647> : vector<256xi32>
    %reduce_min3A_138 = vector.multi_reduction <minsi>, %select_n3A_136, %reduce_min3A_137 [1] : vector<256x4096xi32> to vector<256xi32>
    %broadcast_in_dim3A_139 = vector.shape_cast %reduce_min3A_138 : vector<256xi32> to vector<256x1xi32>
    %eq3A_140 = vector.broadcast %broadcast_in_dim3A_139 : vector<256x1xi32> to vector<256x4096xi32>
    %eq3A_141 = arith.cmpi eq, %select_n3A_136, %eq3A_140 : vector<256x4096xi32>
    %jit3A_142 = arith.constant 0xFF800000 : f32
    %broadcast_in_dim3A_143 = vector.broadcast %jit3A_142 : f32 to vector<256x4096xf32>
    %select_n3A_144 = arith.select %eq3A_141, %broadcast_in_dim3A_143, %select_n3A_128 : vector<256x4096xi1>, vector<256x4096xf32>
    %reduce_max3A_145 = arith.constant dense<0xFF800000> : vector<256xf32>
    %reduce_max3A_146 = vector.multi_reduction <maximumf>, %select_n3A_144, %reduce_max3A_145 [1] : vector<256x4096xf32> to vector<256xf32>
    %broadcast_in_dim3A_147 = vector.shape_cast %reduce_max3A_146 : vector<256xf32> to vector<256x1xf32>
    %eq3A_148 = vector.broadcast %broadcast_in_dim3A_147 : vector<256x1xf32> to vector<256x4096xf32>
    %eq3A_149 = arith.cmpf oeq, %select_n3A_144, %eq3A_148 : vector<256x4096xf32>
    %jit3A_150 = arith.constant 4096 : i32
    %broadcast_in_dim3A_151 = vector.broadcast %jit3A_150 : i32 to vector<256x4096xi32>
    %select_n3A_152 = arith.select %eq3A_149, %iota3A, %broadcast_in_dim3A_151 : vector<256x4096xi1>, vector<256x4096xi32>
    %reduce_min3A_153 = arith.constant dense<2147483647> : vector<256xi32>
    %reduce_min3A_154 = vector.multi_reduction <minsi>, %select_n3A_152, %reduce_min3A_153 [1] : vector<256x4096xi32> to vector<256xi32>
    %broadcast_in_dim3A_155 = vector.shape_cast %reduce_min3A_154 : vector<256xi32> to vector<256x1xi32>
    %eq3A_156 = vector.broadcast %broadcast_in_dim3A_155 : vector<256x1xi32> to vector<256x4096xi32>
    %eq3A_157 = arith.cmpi eq, %select_n3A_152, %eq3A_156 : vector<256x4096xi32>
    %jit3A_158 = arith.constant 0xFF800000 : f32
    %broadcast_in_dim3A_159 = vector.broadcast %jit3A_158 : f32 to vector<256x4096xf32>
    %select_n3A_160 = arith.select %eq3A_157, %broadcast_in_dim3A_159, %select_n3A_144 : vector<256x4096xi1>, vector<256x4096xf32>
    %reduce_max3A_161 = arith.constant dense<0xFF800000> : vector<256xf32>
    %reduce_max3A_162 = vector.multi_reduction <maximumf>, %select_n3A_160, %reduce_max3A_161 [1] : vector<256x4096xf32> to vector<256xf32>
    %broadcast_in_dim3A_163 = vector.shape_cast %reduce_max3A_162 : vector<256xf32> to vector<256x1xf32>
    %eq3A_164 = vector.broadcast %broadcast_in_dim3A_163 : vector<256x1xf32> to vector<256x4096xf32>
    %eq3A_165 = arith.cmpf oeq, %select_n3A_160, %eq3A_164 : vector<256x4096xf32>
    %jit3A_166 = arith.constant 4096 : i32
    %broadcast_in_dim3A_167 = vector.broadcast %jit3A_166 : i32 to vector<256x4096xi32>
    %select_n3A_168 = arith.select %eq3A_165, %iota3A, %broadcast_in_dim3A_167 : vector<256x4096xi1>, vector<256x4096xi32>
    %reduce_min3A_169 = arith.constant dense<2147483647> : vector<256xi32>
    %reduce_min3A_170 = vector.multi_reduction <minsi>, %select_n3A_168, %reduce_min3A_169 [1] : vector<256x4096xi32> to vector<256xi32>
    %broadcast_in_dim3A_171 = vector.shape_cast %reduce_min3A_170 : vector<256xi32> to vector<256x1xi32>
    %eq3A_172 = vector.broadcast %broadcast_in_dim3A_171 : vector<256x1xi32> to vector<256x4096xi32>
    %eq3A_173 = arith.cmpi eq, %select_n3A_168, %eq3A_172 : vector<256x4096xi32>
    %jit3A_174 = arith.constant 0xFF800000 : f32
    %broadcast_in_dim3A_175 = vector.broadcast %jit3A_174 : f32 to vector<256x4096xf32>
    %select_n3A_176 = arith.select %eq3A_173, %broadcast_in_dim3A_175, %select_n3A_160 : vector<256x4096xi1>, vector<256x4096xf32>
    %reduce_max3A_177 = arith.constant dense<0xFF800000> : vector<256xf32>
    %reduce_max3A_178 = vector.multi_reduction <maximumf>, %select_n3A_176, %reduce_max3A_177 [1] : vector<256x4096xf32> to vector<256xf32>
    %broadcast_in_dim3A_179 = vector.shape_cast %reduce_max3A_178 : vector<256xf32> to vector<256x1xf32>
    %eq3A_180 = vector.broadcast %broadcast_in_dim3A_179 : vector<256x1xf32> to vector<256x4096xf32>
    %eq3A_181 = arith.cmpf oeq, %select_n3A_176, %eq3A_180 : vector<256x4096xf32>
    %jit3A_182 = arith.constant 4096 : i32
    %broadcast_in_dim3A_183 = vector.broadcast %jit3A_182 : i32 to vector<256x4096xi32>
    %select_n3A_184 = arith.select %eq3A_181, %iota3A, %broadcast_in_dim3A_183 : vector<256x4096xi1>, vector<256x4096xi32>
    %reduce_min3A_185 = arith.constant dense<2147483647> : vector<256xi32>
    %reduce_min3A_186 = vector.multi_reduction <minsi>, %select_n3A_184, %reduce_min3A_185 [1] : vector<256x4096xi32> to vector<256xi32>
    %broadcast_in_dim3A_187 = vector.shape_cast %reduce_min3A_186 : vector<256xi32> to vector<256x1xi32>
    %eq3A_188 = vector.broadcast %broadcast_in_dim3A_187 : vector<256x1xi32> to vector<256x4096xi32>
    %eq3A_189 = arith.cmpi eq, %select_n3A_184, %eq3A_188 : vector<256x4096xi32>
    %jit3A_190 = arith.constant 0xFF800000 : f32
    %broadcast_in_dim3A_191 = vector.broadcast %jit3A_190 : f32 to vector<256x4096xf32>
    %select_n3A_192 = arith.select %eq3A_189, %broadcast_in_dim3A_191, %select_n3A_176 : vector<256x4096xi1>, vector<256x4096xf32>
    %reduce_max3A_193 = arith.constant dense<0xFF800000> : vector<256xf32>
    %reduce_max3A_194 = vector.multi_reduction <maximumf>, %select_n3A_192, %reduce_max3A_193 [1] : vector<256x4096xf32> to vector<256xf32>
    %broadcast_in_dim3A_195 = vector.shape_cast %reduce_max3A_194 : vector<256xf32> to vector<256x1xf32>
    %eq3A_196 = vector.broadcast %broadcast_in_dim3A_195 : vector<256x1xf32> to vector<256x4096xf32>
    %eq3A_197 = arith.cmpf oeq, %select_n3A_192, %eq3A_196 : vector<256x4096xf32>
    %jit3A_198 = arith.constant 4096 : i32
    %broadcast_in_dim3A_199 = vector.broadcast %jit3A_198 : i32 to vector<256x4096xi32>
    %select_n3A_200 = arith.select %eq3A_197, %iota3A, %broadcast_in_dim3A_199 : vector<256x4096xi1>, vector<256x4096xi32>
    %reduce_min3A_201 = arith.constant dense<2147483647> : vector<256xi32>
    %reduce_min3A_202 = vector.multi_reduction <minsi>, %select_n3A_200, %reduce_min3A_201 [1] : vector<256x4096xi32> to vector<256xi32>
    %broadcast_in_dim3A_203 = vector.shape_cast %reduce_min3A_202 : vector<256xi32> to vector<256x1xi32>
    %eq3A_204 = vector.broadcast %broadcast_in_dim3A_203 : vector<256x1xi32> to vector<256x4096xi32>
    %eq3A_205 = arith.cmpi eq, %select_n3A_200, %eq3A_204 : vector<256x4096xi32>
    %jit3A_206 = arith.constant 0xFF800000 : f32
    %broadcast_in_dim3A_207 = vector.broadcast %jit3A_206 : f32 to vector<256x4096xf32>
    %select_n3A_208 = arith.select %eq3A_205, %broadcast_in_dim3A_207, %select_n3A_192 : vector<256x4096xi1>, vector<256x4096xf32>
    %reduce_max3A_209 = arith.constant dense<0xFF800000> : vector<256xf32>
    %reduce_max3A_210 = vector.multi_reduction <maximumf>, %select_n3A_208, %reduce_max3A_209 [1] : vector<256x4096xf32> to vector<256xf32>
    %broadcast_in_dim3A_211 = vector.shape_cast %reduce_max3A_210 : vector<256xf32> to vector<256x1xf32>
    %eq3A_212 = vector.broadcast %broadcast_in_dim3A_211 : vector<256x1xf32> to vector<256x4096xf32>
    %eq3A_213 = arith.cmpf oeq, %select_n3A_208, %eq3A_212 : vector<256x4096xf32>
    %jit3A_214 = arith.constant 4096 : i32
    %broadcast_in_dim3A_215 = vector.broadcast %jit3A_214 : i32 to vector<256x4096xi32>
    %select_n3A_216 = arith.select %eq3A_213, %iota3A, %broadcast_in_dim3A_215 : vector<256x4096xi1>, vector<256x4096xi32>
    %reduce_min3A_217 = arith.constant dense<2147483647> : vector<256xi32>
    %reduce_min3A_218 = vector.multi_reduction <minsi>, %select_n3A_216, %reduce_min3A_217 [1] : vector<256x4096xi32> to vector<256xi32>
    %broadcast_in_dim3A_219 = vector.shape_cast %reduce_min3A_218 : vector<256xi32> to vector<256x1xi32>
    %eq3A_220 = vector.broadcast %broadcast_in_dim3A_219 : vector<256x1xi32> to vector<256x4096xi32>
    %eq3A_221 = arith.cmpi eq, %select_n3A_216, %eq3A_220 : vector<256x4096xi32>
    %jit3A_222 = arith.constant 0xFF800000 : f32
    %broadcast_in_dim3A_223 = vector.broadcast %jit3A_222 : f32 to vector<256x4096xf32>
    %select_n3A_224 = arith.select %eq3A_221, %broadcast_in_dim3A_223, %select_n3A_208 : vector<256x4096xi1>, vector<256x4096xf32>
    %reduce_max3A_225 = arith.constant dense<0xFF800000> : vector<256xf32>
    %reduce_max3A_226 = vector.multi_reduction <maximumf>, %select_n3A_224, %reduce_max3A_225 [1] : vector<256x4096xf32> to vector<256xf32>
    %broadcast_in_dim3A_227 = vector.shape_cast %reduce_max3A_226 : vector<256xf32> to vector<256x1xf32>
    %eq3A_228 = vector.broadcast %broadcast_in_dim3A_227 : vector<256x1xf32> to vector<256x4096xf32>
    %eq3A_229 = arith.cmpf oeq, %select_n3A_224, %eq3A_228 : vector<256x4096xf32>
    %jit3A_230 = arith.constant 4096 : i32
    %broadcast_in_dim3A_231 = vector.broadcast %jit3A_230 : i32 to vector<256x4096xi32>
    %select_n3A_232 = arith.select %eq3A_229, %iota3A, %broadcast_in_dim3A_231 : vector<256x4096xi1>, vector<256x4096xi32>
    %reduce_min3A_233 = arith.constant dense<2147483647> : vector<256xi32>
    %reduce_min3A_234 = vector.multi_reduction <minsi>, %select_n3A_232, %reduce_min3A_233 [1] : vector<256x4096xi32> to vector<256xi32>
    %broadcast_in_dim3A_235 = vector.shape_cast %reduce_min3A_234 : vector<256xi32> to vector<256x1xi32>
    %eq3A_236 = vector.broadcast %broadcast_in_dim3A_235 : vector<256x1xi32> to vector<256x4096xi32>
    %eq3A_237 = arith.cmpi eq, %select_n3A_232, %eq3A_236 : vector<256x4096xi32>
    %jit3A_238 = arith.constant 0xFF800000 : f32
    %broadcast_in_dim3A_239 = vector.broadcast %jit3A_238 : f32 to vector<256x4096xf32>
    %select_n3A_240 = arith.select %eq3A_237, %broadcast_in_dim3A_239, %select_n3A_224 : vector<256x4096xi1>, vector<256x4096xf32>
    %reduce_max3A_241 = arith.constant dense<0xFF800000> : vector<256xf32>
    %reduce_max3A_242 = vector.multi_reduction <maximumf>, %select_n3A_240, %reduce_max3A_241 [1] : vector<256x4096xf32> to vector<256xf32>
    %broadcast_in_dim3A_243 = vector.shape_cast %reduce_max3A_242 : vector<256xf32> to vector<256x1xf32>
    %eq3A_244 = vector.broadcast %broadcast_in_dim3A_243 : vector<256x1xf32> to vector<256x4096xf32>
    %eq3A_245 = arith.cmpf oeq, %select_n3A_240, %eq3A_244 : vector<256x4096xf32>
    %jit3A_246 = arith.constant 4096 : i32
    %broadcast_in_dim3A_247 = vector.broadcast %jit3A_246 : i32 to vector<256x4096xi32>
    %select_n3A_248 = arith.select %eq3A_245, %iota3A, %broadcast_in_dim3A_247 : vector<256x4096xi1>, vector<256x4096xi32>
    %reduce_min3A_249 = arith.constant dense<2147483647> : vector<256xi32>
    %reduce_min3A_250 = vector.multi_reduction <minsi>, %select_n3A_248, %reduce_min3A_249 [1] : vector<256x4096xi32> to vector<256xi32>
    %broadcast_in_dim3A_251 = vector.shape_cast %reduce_min3A_250 : vector<256xi32> to vector<256x1xi32>
    %eq3A_252 = vector.broadcast %broadcast_in_dim3A_251 : vector<256x1xi32> to vector<256x4096xi32>
    %eq3A_253 = arith.cmpi eq, %select_n3A_248, %eq3A_252 : vector<256x4096xi32>
    %jit3A_254 = arith.constant 0xFF800000 : f32
    %broadcast_in_dim3A_255 = vector.broadcast %jit3A_254 : f32 to vector<256x4096xf32>
    %select_n3A_256 = arith.select %eq3A_253, %broadcast_in_dim3A_255, %select_n3A_240 : vector<256x4096xi1>, vector<256x4096xf32>
    %reduce_max3A_257 = arith.constant dense<0xFF800000> : vector<256xf32>
    %reduce_max3A_258 = vector.multi_reduction <maximumf>, %select_n3A_256, %reduce_max3A_257 [1] : vector<256x4096xf32> to vector<256xf32>
    %broadcast_in_dim3A_259 = vector.shape_cast %reduce_max3A_258 : vector<256xf32> to vector<256x1xf32>
    %eq3A_260 = vector.broadcast %broadcast_in_dim3A_259 : vector<256x1xf32> to vector<256x4096xf32>
    %eq3A_261 = arith.cmpf oeq, %select_n3A_256, %eq3A_260 : vector<256x4096xf32>
    %jit3A_262 = arith.constant 4096 : i32
    %broadcast_in_dim3A_263 = vector.broadcast %jit3A_262 : i32 to vector<256x4096xi32>
    %select_n3A_264 = arith.select %eq3A_261, %iota3A, %broadcast_in_dim3A_263 : vector<256x4096xi1>, vector<256x4096xi32>
    %reduce_min3A_265 = arith.constant dense<2147483647> : vector<256xi32>
    %reduce_min3A_266 = vector.multi_reduction <minsi>, %select_n3A_264, %reduce_min3A_265 [1] : vector<256x4096xi32> to vector<256xi32>
    %broadcast_in_dim3A_267 = vector.shape_cast %reduce_min3A_266 : vector<256xi32> to vector<256x1xi32>
    %eq3A_268 = vector.broadcast %broadcast_in_dim3A_267 : vector<256x1xi32> to vector<256x4096xi32>
    %eq3A_269 = arith.cmpi eq, %select_n3A_264, %eq3A_268 : vector<256x4096xi32>
    %jit3A_270 = arith.constant 0xFF800000 : f32
    %broadcast_in_dim3A_271 = vector.broadcast %jit3A_270 : f32 to vector<256x4096xf32>
    %select_n3A_272 = arith.select %eq3A_269, %broadcast_in_dim3A_271, %select_n3A_256 : vector<256x4096xi1>, vector<256x4096xf32>
    %reduce_max3A_273 = arith.constant dense<0xFF800000> : vector<256xf32>
    %reduce_max3A_274 = vector.multi_reduction <maximumf>, %select_n3A_272, %reduce_max3A_273 [1] : vector<256x4096xf32> to vector<256xf32>
    %broadcast_in_dim3A_275 = vector.shape_cast %reduce_max3A_274 : vector<256xf32> to vector<256x1xf32>
    %eq3A_276 = vector.broadcast %broadcast_in_dim3A_275 : vector<256x1xf32> to vector<256x4096xf32>
    %eq3A_277 = arith.cmpf oeq, %select_n3A_272, %eq3A_276 : vector<256x4096xf32>
    %jit3A_278 = arith.constant 4096 : i32
    %broadcast_in_dim3A_279 = vector.broadcast %jit3A_278 : i32 to vector<256x4096xi32>
    %select_n3A_280 = arith.select %eq3A_277, %iota3A, %broadcast_in_dim3A_279 : vector<256x4096xi1>, vector<256x4096xi32>
    %reduce_min3A_281 = arith.constant dense<2147483647> : vector<256xi32>
    %reduce_min3A_282 = vector.multi_reduction <minsi>, %select_n3A_280, %reduce_min3A_281 [1] : vector<256x4096xi32> to vector<256xi32>
    %broadcast_in_dim3A_283 = vector.shape_cast %reduce_min3A_282 : vector<256xi32> to vector<256x1xi32>
    %eq3A_284 = vector.broadcast %broadcast_in_dim3A_283 : vector<256x1xi32> to vector<256x4096xi32>
    %eq3A_285 = arith.cmpi eq, %select_n3A_280, %eq3A_284 : vector<256x4096xi32>
    %jit3A_286 = arith.constant 0xFF800000 : f32
    %broadcast_in_dim3A_287 = vector.broadcast %jit3A_286 : f32 to vector<256x4096xf32>
    %select_n3A_288 = arith.select %eq3A_285, %broadcast_in_dim3A_287, %select_n3A_272 : vector<256x4096xi1>, vector<256x4096xf32>
    %reduce_max3A_289 = arith.constant dense<0xFF800000> : vector<256xf32>
    %reduce_max3A_290 = vector.multi_reduction <maximumf>, %select_n3A_288, %reduce_max3A_289 [1] : vector<256x4096xf32> to vector<256xf32>
    %broadcast_in_dim3A_291 = vector.shape_cast %reduce_max3A_290 : vector<256xf32> to vector<256x1xf32>
    %eq3A_292 = vector.broadcast %broadcast_in_dim3A_291 : vector<256x1xf32> to vector<256x4096xf32>
    %eq3A_293 = arith.cmpf oeq, %select_n3A_288, %eq3A_292 : vector<256x4096xf32>
    %jit3A_294 = arith.constant 4096 : i32
    %broadcast_in_dim3A_295 = vector.broadcast %jit3A_294 : i32 to vector<256x4096xi32>
    %select_n3A_296 = arith.select %eq3A_293, %iota3A, %broadcast_in_dim3A_295 : vector<256x4096xi1>, vector<256x4096xi32>
    %reduce_min3A_297 = arith.constant dense<2147483647> : vector<256xi32>
    %reduce_min3A_298 = vector.multi_reduction <minsi>, %select_n3A_296, %reduce_min3A_297 [1] : vector<256x4096xi32> to vector<256xi32>
    %broadcast_in_dim3A_299 = vector.shape_cast %reduce_min3A_298 : vector<256xi32> to vector<256x1xi32>
    %eq3A_300 = vector.broadcast %broadcast_in_dim3A_299 : vector<256x1xi32> to vector<256x4096xi32>
    %eq3A_301 = arith.cmpi eq, %select_n3A_296, %eq3A_300 : vector<256x4096xi32>
    %jit3A_302 = arith.constant 0xFF800000 : f32
    %broadcast_in_dim3A_303 = vector.broadcast %jit3A_302 : f32 to vector<256x4096xf32>
    %select_n3A_304 = arith.select %eq3A_301, %broadcast_in_dim3A_303, %select_n3A_288 : vector<256x4096xi1>, vector<256x4096xf32>
    %reduce_max3A_305 = arith.constant dense<0xFF800000> : vector<256xf32>
    %reduce_max3A_306 = vector.multi_reduction <maximumf>, %select_n3A_304, %reduce_max3A_305 [1] : vector<256x4096xf32> to vector<256xf32>
    %broadcast_in_dim3A_307 = vector.shape_cast %reduce_max3A_306 : vector<256xf32> to vector<256x1xf32>
    %eq3A_308 = vector.broadcast %broadcast_in_dim3A_307 : vector<256x1xf32> to vector<256x4096xf32>
    %eq3A_309 = arith.cmpf oeq, %select_n3A_304, %eq3A_308 : vector<256x4096xf32>
    %jit3A_310 = arith.constant 4096 : i32
    %broadcast_in_dim3A_311 = vector.broadcast %jit3A_310 : i32 to vector<256x4096xi32>
    %select_n3A_312 = arith.select %eq3A_309, %iota3A, %broadcast_in_dim3A_311 : vector<256x4096xi1>, vector<256x4096xi32>
    %reduce_min3A_313 = arith.constant dense<2147483647> : vector<256xi32>
    %reduce_min3A_314 = vector.multi_reduction <minsi>, %select_n3A_312, %reduce_min3A_313 [1] : vector<256x4096xi32> to vector<256xi32>
    %broadcast_in_dim3A_315 = vector.shape_cast %reduce_min3A_314 : vector<256xi32> to vector<256x1xi32>
    %eq3A_316 = vector.broadcast %broadcast_in_dim3A_315 : vector<256x1xi32> to vector<256x4096xi32>
    %eq3A_317 = arith.cmpi eq, %select_n3A_312, %eq3A_316 : vector<256x4096xi32>
    %jit3A_318 = arith.constant 0xFF800000 : f32
    %broadcast_in_dim3A_319 = vector.broadcast %jit3A_318 : f32 to vector<256x4096xf32>
    %select_n3A_320 = arith.select %eq3A_317, %broadcast_in_dim3A_319, %select_n3A_304 : vector<256x4096xi1>, vector<256x4096xf32>
    %reduce_max3A_321 = arith.constant dense<0xFF800000> : vector<256xf32>
    %reduce_max3A_322 = vector.multi_reduction <maximumf>, %select_n3A_320, %reduce_max3A_321 [1] : vector<256x4096xf32> to vector<256xf32>
    %broadcast_in_dim3A_323 = vector.shape_cast %reduce_max3A_322 : vector<256xf32> to vector<256x1xf32>
    %eq3A_324 = vector.broadcast %broadcast_in_dim3A_323 : vector<256x1xf32> to vector<256x4096xf32>
    %eq3A_325 = arith.cmpf oeq, %select_n3A_320, %eq3A_324 : vector<256x4096xf32>
    %jit3A_326 = arith.constant 4096 : i32
    %broadcast_in_dim3A_327 = vector.broadcast %jit3A_326 : i32 to vector<256x4096xi32>
    %select_n3A_328 = arith.select %eq3A_325, %iota3A, %broadcast_in_dim3A_327 : vector<256x4096xi1>, vector<256x4096xi32>
    %reduce_min3A_329 = arith.constant dense<2147483647> : vector<256xi32>
    %reduce_min3A_330 = vector.multi_reduction <minsi>, %select_n3A_328, %reduce_min3A_329 [1] : vector<256x4096xi32> to vector<256xi32>
    %broadcast_in_dim3A_331 = vector.shape_cast %reduce_min3A_330 : vector<256xi32> to vector<256x1xi32>
    %concatenate3A = tpu.concatenate %broadcast_in_dim3A_27, %broadcast_in_dim3A_43, %broadcast_in_dim3A_59, %broadcast_in_dim3A_75, %broadcast_in_dim3A_91, %broadcast_in_dim3A_107, %broadcast_in_dim3A_123, %broadcast_in_dim3A_139, %broadcast_in_dim3A_155, %broadcast_in_dim3A_171, %broadcast_in_dim3A_187, %broadcast_in_dim3A_203, %broadcast_in_dim3A_219, %broadcast_in_dim3A_235, %broadcast_in_dim3A_251, %broadcast_in_dim3A_267, %broadcast_in_dim3A_283, %broadcast_in_dim3A_299, %broadcast_in_dim3A_315, %broadcast_in_dim3A_331 in 1 : vector<256x1xi32>, vector<256x1xi32>, vector<256x1xi32>, vector<256x1xi32>, vector<256x1xi32>, vector<256x1xi32>, vector<256x1xi32>, vector<256x1xi32>, vector<256x1xi32>, vector<256x1xi32>, vector<256x1xi32>, vector<256x1xi32>, vector<256x1xi32>, vector<256x1xi32>, vector<256x1xi32>, vector<256x1xi32>, vector<256x1xi32>, vector<256x1xi32>, vector<256x1xi32>, vector<256x1xi32> -> vector<256x20xi32>
    %mul3A_332 = arith.constant 4096 : i32
    %mul3A_333 = arith.muli %arg0, %mul3A_332 : i32
    %add3A = vector.broadcast %mul3A_333 : i32 to vector<256x20xi32>
    %add3A_334 = arith.addi %concatenate3A, %add3A : vector<256x20xi32>
    %swap3A = arith.constant 0 : index
    %swap3A_335 = arith.constant 0 : index
    %swap3A_336 = arith.constant 0 : index
    %swap3A_337 = vector.load %arg4[%swap3A, %swap3A_335, %swap3A_336] : memref<1x256x20xi32, #tpu.memory_space<vmem>>, vector<1x256x20xi32>
    %swap3A_338 = vector.shape_cast %swap3A_337 : vector<1x256x20xi32> to vector<256x20xi32>
    %swap3A_339 = vector.shape_cast %add3A_334 : vector<256x20xi32> to vector<1x256x20xi32>
    tpu.vector_store %arg4[%swap3A, %swap3A_335, %swap3A_336], %swap3A_339 {strides = array<i32>} : memref<1x256x20xi32, #tpu.memory_space<vmem>>, vector<1x256x20xi32>,
    return
  }
  func.func @transform_0(%arg0: i32, %arg1: i32) -> (i32, i32, i32) {
    %c0_i32 = arith.constant 0 : i32
    %c0_i32_0 = arith.constant 0 : i32
    return %arg0, %c0_i32, %arg1 : i32, i32, i32
  }
  func.func @transform_1(%arg0: i32, %arg1: i32) -> (i32, i32, i32) {
    %c0_i32 = arith.constant 0 : i32
    %c0_i32_0 = arith.constant 0 : i32
    %c0_i32_1 = arith.constant 0 : i32
    return %arg0, %c0_i32, %c0_i32_0 : i32, i32, i32
  }
  func.func @transform_2(%arg0: i32, %arg1: i32) -> (i32, i32, i32) {
    %c0_i32 = arith.constant 0 : i32
    %c0_i32_0 = arith.constant 0 : i32
    return %arg0, %arg1, %c0_i32 : i32, i32, i32
  }
}

module attributes {stable_mosaic.version = 14 : i64} {
  func.func @_agg_body(%arg0: i32, %arg1: memref<256x2560xf32, #tpu.memory_space<vmem>>, %arg2: memref<3x8xf32, #tpu.memory_space<vmem>>, %arg3: memref<8x20xf32, #tpu.memory_space<vmem>>, %arg4: memref<512x64xf32, #tpu.memory_space<vmem>>, %arg5: memref<1280x64xf32, #tpu.memory_space<vmem>>, %arg6: memref<1x64xf32, #tpu.memory_space<vmem>>, %arg7: memref<256x64xf32, #tpu.memory_space<vmem>>) attributes {dimension_semantics = [#tpu.dimension_semantics<arbitrary>], iteration_bounds = array<i64: 64>, scalar_prefetch = 0 : i64, scratch_operands = 0 : i64, tpu.core_type = #tpu.core_type<tc>, window_params = [{transform_indices = @transform_0, window_bounds = array<i64: 256, 2560>}, {pipeline_mode = #tpu.pipeline_mode<synchronous>, transform_indices = @transform_1, window_bounds = array<i64: 3, 8>}, {pipeline_mode = #tpu.pipeline_mode<synchronous>, transform_indices = @transform_2, window_bounds = array<i64: 8, 20>}, {pipeline_mode = #tpu.pipeline_mode<synchronous>, transform_indices = @transform_3, window_bounds = array<i64: 512, 64>}, {pipeline_mode = #tpu.pipeline_mode<synchronous>, transform_indices = @transform_4, window_bounds = array<i64: 1280, 64>}, {pipeline_mode = #tpu.pipeline_mode<synchronous>, transform_indices = @transform_5, window_bounds = array<i64: 1, 64>}, {transform_indices = @transform_6, window_bounds = array<i64: 256, 64>}]} {
    %get3A = arith.constant 0 : index
    %get3A_0 = arith.constant 0 : index
    %get3A_1 = vector.load %arg2[%get3A, %get3A_0] : memref<3x8xf32, #tpu.memory_space<vmem>>, vector<3x8xf32>
    %get3A_2 = arith.constant 0 : index
    %get3A_3 = arith.constant 0 : index
    %get3A_4 = vector.load %arg3[%get3A_2, %get3A_3] : memref<8x20xf32, #tpu.memory_space<vmem>>, vector<8x20xf32>
    %get3A_5 = arith.constant 0 : index
    %get3A_6 = arith.constant 64 : index
    %get3A_7 = vector.load %arg1[%get3A_5, %get3A_6] : memref<256x2560xf32, #tpu.memory_space<vmem>>, vector<256x1xf32>
    %get3A_8 = arith.constant 0 : index
    %get3A_9 = arith.constant 192 : index
    %get3A_10 = vector.load %arg1[%get3A_8, %get3A_9] : memref<256x2560xf32, #tpu.memory_space<vmem>>, vector<256x1xf32>
    %get3A_11 = arith.constant 0 : index
    %get3A_12 = arith.constant 320 : index
    %get3A_13 = vector.load %arg1[%get3A_11, %get3A_12] : memref<256x2560xf32, #tpu.memory_space<vmem>>, vector<256x1xf32>
    %get3A_14 = arith.constant 0 : index
    %get3A_15 = arith.constant 448 : index
    %get3A_16 = vector.load %arg1[%get3A_14, %get3A_15] : memref<256x2560xf32, #tpu.memory_space<vmem>>, vector<256x1xf32>
    %get3A_17 = arith.constant 0 : index
    %get3A_18 = arith.constant 576 : index
    %get3A_19 = vector.load %arg1[%get3A_17, %get3A_18] : memref<256x2560xf32, #tpu.memory_space<vmem>>, vector<256x1xf32>
    %get3A_20 = arith.constant 0 : index
    %get3A_21 = arith.constant 704 : index
    %get3A_22 = vector.load %arg1[%get3A_20, %get3A_21] : memref<256x2560xf32, #tpu.memory_space<vmem>>, vector<256x1xf32>
    %get3A_23 = arith.constant 0 : index
    %get3A_24 = arith.constant 832 : index
    %get3A_25 = vector.load %arg1[%get3A_23, %get3A_24] : memref<256x2560xf32, #tpu.memory_space<vmem>>, vector<256x1xf32>
    %get3A_26 = arith.constant 0 : index
    %get3A_27 = arith.constant 960 : index
    %get3A_28 = vector.load %arg1[%get3A_26, %get3A_27] : memref<256x2560xf32, #tpu.memory_space<vmem>>, vector<256x1xf32>
    %get3A_29 = arith.constant 0 : index
    %get3A_30 = arith.constant 1088 : index
    %get3A_31 = vector.load %arg1[%get3A_29, %get3A_30] : memref<256x2560xf32, #tpu.memory_space<vmem>>, vector<256x1xf32>
    %get3A_32 = arith.constant 0 : index
    %get3A_33 = arith.constant 1216 : index
    %get3A_34 = vector.load %arg1[%get3A_32, %get3A_33] : memref<256x2560xf32, #tpu.memory_space<vmem>>, vector<256x1xf32>
    %get3A_35 = arith.constant 0 : index
    %get3A_36 = arith.constant 1344 : index
    %get3A_37 = vector.load %arg1[%get3A_35, %get3A_36] : memref<256x2560xf32, #tpu.memory_space<vmem>>, vector<256x1xf32>
    %get3A_38 = arith.constant 0 : index
    %get3A_39 = arith.constant 1472 : index
    %get3A_40 = vector.load %arg1[%get3A_38, %get3A_39] : memref<256x2560xf32, #tpu.memory_space<vmem>>, vector<256x1xf32>
    %get3A_41 = arith.constant 0 : index
    %get3A_42 = arith.constant 1600 : index
    %get3A_43 = vector.load %arg1[%get3A_41, %get3A_42] : memref<256x2560xf32, #tpu.memory_space<vmem>>, vector<256x1xf32>
    %get3A_44 = arith.constant 0 : index
    %get3A_45 = arith.constant 1728 : index
    %get3A_46 = vector.load %arg1[%get3A_44, %get3A_45] : memref<256x2560xf32, #tpu.memory_space<vmem>>, vector<256x1xf32>
    %get3A_47 = arith.constant 0 : index
    %get3A_48 = arith.constant 1856 : index
    %get3A_49 = vector.load %arg1[%get3A_47, %get3A_48] : memref<256x2560xf32, #tpu.memory_space<vmem>>, vector<256x1xf32>
    %get3A_50 = arith.constant 0 : index
    %get3A_51 = arith.constant 1984 : index
    %get3A_52 = vector.load %arg1[%get3A_50, %get3A_51] : memref<256x2560xf32, #tpu.memory_space<vmem>>, vector<256x1xf32>
    %get3A_53 = arith.constant 0 : index
    %get3A_54 = arith.constant 2112 : index
    %get3A_55 = vector.load %arg1[%get3A_53, %get3A_54] : memref<256x2560xf32, #tpu.memory_space<vmem>>, vector<256x1xf32>
    %get3A_56 = arith.constant 0 : index
    %get3A_57 = arith.constant 2240 : index
    %get3A_58 = vector.load %arg1[%get3A_56, %get3A_57] : memref<256x2560xf32, #tpu.memory_space<vmem>>, vector<256x1xf32>
    %get3A_59 = arith.constant 0 : index
    %get3A_60 = arith.constant 2368 : index
    %get3A_61 = vector.load %arg1[%get3A_59, %get3A_60] : memref<256x2560xf32, #tpu.memory_space<vmem>>, vector<256x1xf32>
    %get3A_62 = arith.constant 0 : index
    %get3A_63 = arith.constant 2496 : index
    %get3A_64 = vector.load %arg1[%get3A_62, %get3A_63] : memref<256x2560xf32, #tpu.memory_space<vmem>>, vector<256x1xf32>
    %concatenate3A = tpu.concatenate %get3A_7, %get3A_10, %get3A_13, %get3A_16, %get3A_19, %get3A_22, %get3A_25, %get3A_28, %get3A_31, %get3A_34, %get3A_37, %get3A_40, %get3A_43, %get3A_46, %get3A_49, %get3A_52, %get3A_55, %get3A_58, %get3A_61, %get3A_64 in 1 : vector<256x1xf32>, vector<256x1xf32>, vector<256x1xf32>, vector<256x1xf32>, vector<256x1xf32>, vector<256x1xf32>, vector<256x1xf32>, vector<256x1xf32>, vector<256x1xf32>, vector<256x1xf32>, vector<256x1xf32>, vector<256x1xf32>, vector<256x1xf32>, vector<256x1xf32>, vector<256x1xf32>, vector<256x1xf32>, vector<256x1xf32>, vector<256x1xf32>, vector<256x1xf32>, vector<256x1xf32> -> vector<256x20xf32>
    %slice3A = vector.extract_strided_slice %concatenate3A {offsets = [0, 0], sizes = [256, 1], strides = [1, 1]} : vector<256x20xf32> to vector<256x1xf32>
    %sub3A = vector.broadcast %slice3A : vector<256x1xf32> to vector<256x20xf32>
    %sub3A_65 = arith.subf %concatenate3A, %sub3A : vector<256x20xf32>
    %get3A_66 = arith.constant 0 : index
    %get3A_67 = arith.constant 65 : index
    %get3A_68 = vector.load %arg1[%get3A_66, %get3A_67] : memref<256x2560xf32, #tpu.memory_space<vmem>>, vector<256x1xf32>
    %get3A_69 = arith.constant 0 : index
    %get3A_70 = arith.constant 193 : index
    %get3A_71 = vector.load %arg1[%get3A_69, %get3A_70] : memref<256x2560xf32, #tpu.memory_space<vmem>>, vector<256x1xf32>
    %get3A_72 = arith.constant 0 : index
    %get3A_73 = arith.constant 321 : index
    %get3A_74 = vector.load %arg1[%get3A_72, %get3A_73] : memref<256x2560xf32, #tpu.memory_space<vmem>>, vector<256x1xf32>
    %get3A_75 = arith.constant 0 : index
    %get3A_76 = arith.constant 449 : index
    %get3A_77 = vector.load %arg1[%get3A_75, %get3A_76] : memref<256x2560xf32, #tpu.memory_space<vmem>>, vector<256x1xf32>
    %get3A_78 = arith.constant 0 : index
    %get3A_79 = arith.constant 577 : index
    %get3A_80 = vector.load %arg1[%get3A_78, %get3A_79] : memref<256x2560xf32, #tpu.memory_space<vmem>>, vector<256x1xf32>
    %get3A_81 = arith.constant 0 : index
    %get3A_82 = arith.constant 705 : index
    %get3A_83 = vector.load %arg1[%get3A_81, %get3A_82] : memref<256x2560xf32, #tpu.memory_space<vmem>>, vector<256x1xf32>
    %get3A_84 = arith.constant 0 : index
    %get3A_85 = arith.constant 833 : index
    %get3A_86 = vector.load %arg1[%get3A_84, %get3A_85] : memref<256x2560xf32, #tpu.memory_space<vmem>>, vector<256x1xf32>
    %get3A_87 = arith.constant 0 : index
    %get3A_88 = arith.constant 961 : index
    %get3A_89 = vector.load %arg1[%get3A_87, %get3A_88] : memref<256x2560xf32, #tpu.memory_space<vmem>>, vector<256x1xf32>
    %get3A_90 = arith.constant 0 : index
    %get3A_91 = arith.constant 1089 : index
    %get3A_92 = vector.load %arg1[%get3A_90, %get3A_91] : memref<256x2560xf32, #tpu.memory_space<vmem>>, vector<256x1xf32>
    %get3A_93 = arith.constant 0 : index
    %get3A_94 = arith.constant 1217 : index
    %get3A_95 = vector.load %arg1[%get3A_93, %get3A_94] : memref<256x2560xf32, #tpu.memory_space<vmem>>, vector<256x1xf32>
    %get3A_96 = arith.constant 0 : index
    %get3A_97 = arith.constant 1345 : index
    %get3A_98 = vector.load %arg1[%get3A_96, %get3A_97] : memref<256x2560xf32, #tpu.memory_space<vmem>>, vector<256x1xf32>
    %get3A_99 = arith.constant 0 : index
    %get3A_100 = arith.constant 1473 : index
    %get3A_101 = vector.load %arg1[%get3A_99, %get3A_100] : memref<256x2560xf32, #tpu.memory_space<vmem>>, vector<256x1xf32>
    %get3A_102 = arith.constant 0 : index
    %get3A_103 = arith.constant 1601 : index
    %get3A_104 = vector.load %arg1[%get3A_102, %get3A_103] : memref<256x2560xf32, #tpu.memory_space<vmem>>, vector<256x1xf32>
    %get3A_105 = arith.constant 0 : index
    %get3A_106 = arith.constant 1729 : index
    %get3A_107 = vector.load %arg1[%get3A_105, %get3A_106] : memref<256x2560xf32, #tpu.memory_space<vmem>>, vector<256x1xf32>
    %get3A_108 = arith.constant 0 : index
    %get3A_109 = arith.constant 1857 : index
    %get3A_110 = vector.load %arg1[%get3A_108, %get3A_109] : memref<256x2560xf32, #tpu.memory_space<vmem>>, vector<256x1xf32>
    %get3A_111 = arith.constant 0 : index
    %get3A_112 = arith.constant 1985 : index
    %get3A_113 = vector.load %arg1[%get3A_111, %get3A_112] : memref<256x2560xf32, #tpu.memory_space<vmem>>, vector<256x1xf32>
    %get3A_114 = arith.constant 0 : index
    %get3A_115 = arith.constant 2113 : index
    %get3A_116 = vector.load %arg1[%get3A_114, %get3A_115] : memref<256x2560xf32, #tpu.memory_space<vmem>>, vector<256x1xf32>
    %get3A_117 = arith.constant 0 : index
    %get3A_118 = arith.constant 2241 : index
    %get3A_119 = vector.load %arg1[%get3A_117, %get3A_118] : memref<256x2560xf32, #tpu.memory_space<vmem>>, vector<256x1xf32>
    %get3A_120 = arith.constant 0 : index
    %get3A_121 = arith.constant 2369 : index
    %get3A_122 = vector.load %arg1[%get3A_120, %get3A_121] : memref<256x2560xf32, #tpu.memory_space<vmem>>, vector<256x1xf32>
    %get3A_123 = arith.constant 0 : index
    %get3A_124 = arith.constant 2497 : index
    %get3A_125 = vector.load %arg1[%get3A_123, %get3A_124] : memref<256x2560xf32, #tpu.memory_space<vmem>>, vector<256x1xf32>
    %concatenate3A_126 = tpu.concatenate %get3A_68, %get3A_71, %get3A_74, %get3A_77, %get3A_80, %get3A_83, %get3A_86, %get3A_89, %get3A_92, %get3A_95, %get3A_98, %get3A_101, %get3A_104, %get3A_107, %get3A_110, %get3A_113, %get3A_116, %get3A_119, %get3A_122, %get3A_125 in 1 : vector<256x1xf32>, vector<256x1xf32>, vector<256x1xf32>, vector<256x1xf32>, vector<256x1xf32>, vector<256x1xf32>, vector<256x1xf32>, vector<256x1xf32>, vector<256x1xf32>, vector<256x1xf32>, vector<256x1xf32>, vector<256x1xf32>, vector<256x1xf32>, vector<256x1xf32>, vector<256x1xf32>, vector<256x1xf32>, vector<256x1xf32>, vector<256x1xf32>, vector<256x1xf32>, vector<256x1xf32> -> vector<256x20xf32>
    %slice3A_127 = vector.extract_strided_slice %concatenate3A_126 {offsets = [0, 0], sizes = [256, 1], strides = [1, 1]} : vector<256x20xf32> to vector<256x1xf32>
    %sub3A_128 = vector.broadcast %slice3A_127 : vector<256x1xf32> to vector<256x20xf32>
    %sub3A_129 = arith.subf %concatenate3A_126, %sub3A_128 : vector<256x20xf32>
    %get3A_130 = arith.constant 0 : index
    %get3A_131 = arith.constant 66 : index
    %get3A_132 = vector.load %arg1[%get3A_130, %get3A_131] : memref<256x2560xf32, #tpu.memory_space<vmem>>, vector<256x1xf32>
    %get3A_133 = arith.constant 0 : index
    %get3A_134 = arith.constant 194 : index
    %get3A_135 = vector.load %arg1[%get3A_133, %get3A_134] : memref<256x2560xf32, #tpu.memory_space<vmem>>, vector<256x1xf32>
    %get3A_136 = arith.constant 0 : index
    %get3A_137 = arith.constant 322 : index
    %get3A_138 = vector.load %arg1[%get3A_136, %get3A_137] : memref<256x2560xf32, #tpu.memory_space<vmem>>, vector<256x1xf32>
    %get3A_139 = arith.constant 0 : index
    %get3A_140 = arith.constant 450 : index
    %get3A_141 = vector.load %arg1[%get3A_139, %get3A_140] : memref<256x2560xf32, #tpu.memory_space<vmem>>, vector<256x1xf32>
    %get3A_142 = arith.constant 0 : index
    %get3A_143 = arith.constant 578 : index
    %get3A_144 = vector.load %arg1[%get3A_142, %get3A_143] : memref<256x2560xf32, #tpu.memory_space<vmem>>, vector<256x1xf32>
    %get3A_145 = arith.constant 0 : index
    %get3A_146 = arith.constant 706 : index
    %get3A_147 = vector.load %arg1[%get3A_145, %get3A_146] : memref<256x2560xf32, #tpu.memory_space<vmem>>, vector<256x1xf32>
    %get3A_148 = arith.constant 0 : index
    %get3A_149 = arith.constant 834 : index
    %get3A_150 = vector.load %arg1[%get3A_148, %get3A_149] : memref<256x2560xf32, #tpu.memory_space<vmem>>, vector<256x1xf32>
    %get3A_151 = arith.constant 0 : index
    %get3A_152 = arith.constant 962 : index
    %get3A_153 = vector.load %arg1[%get3A_151, %get3A_152] : memref<256x2560xf32, #tpu.memory_space<vmem>>, vector<256x1xf32>
    %get3A_154 = arith.constant 0 : index
    %get3A_155 = arith.constant 1090 : index
    %get3A_156 = vector.load %arg1[%get3A_154, %get3A_155] : memref<256x2560xf32, #tpu.memory_space<vmem>>, vector<256x1xf32>
    %get3A_157 = arith.constant 0 : index
    %get3A_158 = arith.constant 1218 : index
    %get3A_159 = vector.load %arg1[%get3A_157, %get3A_158] : memref<256x2560xf32, #tpu.memory_space<vmem>>, vector<256x1xf32>
    %get3A_160 = arith.constant 0 : index
    %get3A_161 = arith.constant 1346 : index
    %get3A_162 = vector.load %arg1[%get3A_160, %get3A_161] : memref<256x2560xf32, #tpu.memory_space<vmem>>, vector<256x1xf32>
    %get3A_163 = arith.constant 0 : index
    %get3A_164 = arith.constant 1474 : index
    %get3A_165 = vector.load %arg1[%get3A_163, %get3A_164] : memref<256x2560xf32, #tpu.memory_space<vmem>>, vector<256x1xf32>
    %get3A_166 = arith.constant 0 : index
    %get3A_167 = arith.constant 1602 : index
    %get3A_168 = vector.load %arg1[%get3A_166, %get3A_167] : memref<256x2560xf32, #tpu.memory_space<vmem>>, vector<256x1xf32>
    %get3A_169 = arith.constant 0 : index
    %get3A_170 = arith.constant 1730 : index
    %get3A_171 = vector.load %arg1[%get3A_169, %get3A_170] : memref<256x2560xf32, #tpu.memory_space<vmem>>, vector<256x1xf32>
    %get3A_172 = arith.constant 0 : index
    %get3A_173 = arith.constant 1858 : index
    %get3A_174 = vector.load %arg1[%get3A_172, %get3A_173] : memref<256x2560xf32, #tpu.memory_space<vmem>>, vector<256x1xf32>
    %get3A_175 = arith.constant 0 : index
    %get3A_176 = arith.constant 1986 : index
    %get3A_177 = vector.load %arg1[%get3A_175, %get3A_176] : memref<256x2560xf32, #tpu.memory_space<vmem>>, vector<256x1xf32>
    %get3A_178 = arith.constant 0 : index
    %get3A_179 = arith.constant 2114 : index
    %get3A_180 = vector.load %arg1[%get3A_178, %get3A_179] : memref<256x2560xf32, #tpu.memory_space<vmem>>, vector<256x1xf32>
    %get3A_181 = arith.constant 0 : index
    %get3A_182 = arith.constant 2242 : index
    %get3A_183 = vector.load %arg1[%get3A_181, %get3A_182] : memref<256x2560xf32, #tpu.memory_space<vmem>>, vector<256x1xf32>
    %get3A_184 = arith.constant 0 : index
    %get3A_185 = arith.constant 2370 : index
    %get3A_186 = vector.load %arg1[%get3A_184, %get3A_185] : memref<256x2560xf32, #tpu.memory_space<vmem>>, vector<256x1xf32>
    %get3A_187 = arith.constant 0 : index
    %get3A_188 = arith.constant 2498 : index
    %get3A_189 = vector.load %arg1[%get3A_187, %get3A_188] : memref<256x2560xf32, #tpu.memory_space<vmem>>, vector<256x1xf32>
    %concatenate3A_190 = tpu.concatenate %get3A_132, %get3A_135, %get3A_138, %get3A_141, %get3A_144, %get3A_147, %get3A_150, %get3A_153, %get3A_156, %get3A_159, %get3A_162, %get3A_165, %get3A_168, %get3A_171, %get3A_174, %get3A_177, %get3A_180, %get3A_183, %get3A_186, %get3A_189 in 1 : vector<256x1xf32>, vector<256x1xf32>, vector<256x1xf32>, vector<256x1xf32>, vector<256x1xf32>, vector<256x1xf32>, vector<256x1xf32>, vector<256x1xf32>, vector<256x1xf32>, vector<256x1xf32>, vector<256x1xf32>, vector<256x1xf32>, vector<256x1xf32>, vector<256x1xf32>, vector<256x1xf32>, vector<256x1xf32>, vector<256x1xf32>, vector<256x1xf32>, vector<256x1xf32>, vector<256x1xf32> -> vector<256x20xf32>
    %slice3A_191 = vector.extract_strided_slice %concatenate3A_190 {offsets = [0, 0], sizes = [256, 1], strides = [1, 1]} : vector<256x20xf32> to vector<256x1xf32>
    %sub3A_192 = vector.broadcast %slice3A_191 : vector<256x1xf32> to vector<256x20xf32>
    %sub3A_193 = arith.subf %concatenate3A_190, %sub3A_192 : vector<256x20xf32>
    %mul3A = arith.mulf %sub3A_65, %sub3A_65 : vector<256x20xf32>
    %mul3A_194 = arith.mulf %sub3A_129, %sub3A_129 : vector<256x20xf32>
    %add3A = arith.addf %mul3A, %mul3A_194 : vector<256x20xf32>
    %mul3A_195 = arith.mulf %sub3A_193, %sub3A_193 : vector<256x20xf32>
    %add3A_196 = arith.addf %add3A, %mul3A_195 : vector<256x20xf32>
    %add3A_197 = arith.constant 9.99999996E-13 : f32
    %add3A_198 = vector.broadcast %add3A_197 : f32 to vector<256x20xf32>
    %add3A_199 = arith.addf %add3A_196, %add3A_198 : vector<256x20xf32>
    %sqrt3A = math.sqrt %add3A_199 : vector<256x20xf32>
    %broadcast_in_dim3A = arith.constant 1.000000e+00 : f32
    %broadcast_in_dim3A_200 = vector.broadcast %broadcast_in_dim3A : f32 to vector<256x20xf32>
    %broadcast_in_dim3A_201 = vector.shape_cast %slice3A : vector<256x1xf32> to vector<256x1xf32>
    %broadcast_in_dim3A_202 = vector.broadcast %broadcast_in_dim3A_201 : vector<256x1xf32> to vector<256x20xf32>
    %broadcast_in_dim3A_203 = vector.shape_cast %slice3A_127 : vector<256x1xf32> to vector<256x1xf32>
    %broadcast_in_dim3A_204 = vector.broadcast %broadcast_in_dim3A_203 : vector<256x1xf32> to vector<256x20xf32>
    %broadcast_in_dim3A_205 = vector.shape_cast %slice3A_191 : vector<256x1xf32> to vector<256x1xf32>
    %broadcast_in_dim3A_206 = vector.broadcast %broadcast_in_dim3A_205 : vector<256x1xf32> to vector<256x20xf32>
    %concatenate3A_207 = tpu.concatenate %broadcast_in_dim3A_202, %broadcast_in_dim3A_204, %broadcast_in_dim3A_206, %sub3A_65, %sub3A_129, %sub3A_193, %sqrt3A, %broadcast_in_dim3A_200 in 1 : vector<256x20xf32>, vector<256x20xf32>, vector<256x20xf32>, vector<256x20xf32>, vector<256x20xf32>, vector<256x20xf32>, vector<256x20xf32>, vector<256x20xf32> -> vector<256x160xf32>
    %convert_element_type3A = arith.truncf %sub3A_65 : vector<256x20xf32> to vector<256x20xbf16>
    %convert_element_type3A_208 = arith.extf %convert_element_type3A : vector<256x20xbf16> to vector<256x20xf32>
    %convert_element_type3A_209 = arith.truncf %sub3A_129 : vector<256x20xf32> to vector<256x20xbf16>
    %convert_element_type3A_210 = arith.extf %convert_element_type3A_209 : vector<256x20xbf16> to vector<256x20xf32>
    %convert_element_type3A_211 = arith.truncf %sub3A_193 : vector<256x20xf32> to vector<256x20xbf16>
    %convert_element_type3A_212 = arith.extf %convert_element_type3A_211 : vector<256x20xbf16> to vector<256x20xf32>
    %convert_element_type3A_213 = arith.truncf %get3A_1 : vector<3x8xf32> to vector<3x8xbf16>
    %convert_element_type3A_214 = arith.extf %convert_element_type3A_213 : vector<3x8xbf16> to vector<3x8xf32>
    %slice3A_215 = vector.extract_strided_slice %convert_element_type3A_214 {offsets = [0, 0], sizes = [1, 1], strides = [1, 1]} : vector<3x8xf32> to vector<1x1xf32>
    %mul3A_216 = vector.broadcast %slice3A_215 : vector<1x1xf32> to vector<256x20xf32>
    %mul3A_217 = arith.mulf %convert_element_type3A_208, %mul3A_216 : vector<256x20xf32>
    %slice3A_218 = vector.extract_strided_slice %convert_element_type3A_214 {offsets = [1, 0], sizes = [1, 1], strides = [1, 1]} : vector<3x8xf32> to vector<1x1xf32>
    %mul3A_219 = vector.broadcast %slice3A_218 : vector<1x1xf32> to vector<256x20xf32>
    %mul3A_220 = arith.mulf %convert_element_type3A_210, %mul3A_219 : vector<256x20xf32>
    %add3A_221 = arith.addf %mul3A_217, %mul3A_220 : vector<256x20xf32>
    %slice3A_222 = vector.extract_strided_slice %convert_element_type3A_214 {offsets = [2, 0], sizes = [1, 1], strides = [1, 1]} : vector<3x8xf32> to vector<1x1xf32>
    %mul3A_223 = vector.broadcast %slice3A_222 : vector<1x1xf32> to vector<256x20xf32>
    %mul3A_224 = arith.mulf %convert_element_type3A_212, %mul3A_223 : vector<256x20xf32>
    %add3A_225 = arith.addf %add3A_221, %mul3A_224 : vector<256x20xf32>
    %slice3A_226 = vector.extract_strided_slice %get3A_4 {offsets = [0, 0], sizes = [1, 20], strides = [1, 1]} : vector<8x20xf32> to vector<1x20xf32>
    %add3A_227 = vector.broadcast %slice3A_226 : vector<1x20xf32> to vector<256x20xf32>
    %add3A_228 = arith.addf %add3A_225, %add3A_227 : vector<256x20xf32>
    %max3A = arith.constant 0.000000e+00 : f32
    %max3A_229 = vector.broadcast %max3A : f32 to vector<256x20xf32>
    %max3A_230 = arith.maximumf %add3A_228, %max3A_229 : vector<256x20xf32>
    %reduce_sum3A = arith.constant dense<0.000000e+00> : vector<256xf32>
    %reduce_sum3A_231 = vector.multi_reduction <add>, %max3A_230, %reduce_sum3A [1] : vector<256x20xf32> to vector<256xf32>
    %broadcast_in_dim3A_232 = vector.shape_cast %reduce_sum3A_231 : vector<256xf32> to vector<256x1xf32>
    %add3A_233 = arith.constant 9.99999997E-7 : f32
    %add3A_234 = vector.broadcast %add3A_233 : f32 to vector<256x1xf32>
    %add3A_235 = arith.addf %broadcast_in_dim3A_232, %add3A_234 : vector<256x1xf32>
    %div3A = vector.broadcast %add3A_235 : vector<256x1xf32> to vector<256x20xf32>
    %div3A_236 = arith.divf %max3A_230, %div3A : vector<256x20xf32>
    %mul3A_237 = arith.mulf %div3A_236, %div3A_236 : vector<256x20xf32>
    %reduce_sum3A_238 = arith.constant dense<0.000000e+00> : vector<256xf32>
    %reduce_sum3A_239 = vector.multi_reduction <add>, %mul3A_237, %reduce_sum3A_238 [1] : vector<256x20xf32> to vector<256xf32>
    %broadcast_in_dim3A_240 = vector.shape_cast %reduce_sum3A_239 : vector<256xf32> to vector<256x1xf32>
    %add3A_241 = arith.constant 9.99999997E-7 : f32
    %add3A_242 = vector.broadcast %add3A_241 : f32 to vector<256x1xf32>
    %add3A_243 = arith.addf %broadcast_in_dim3A_240, %add3A_242 : vector<256x1xf32>
    %div3A_244 = vector.broadcast %add3A_243 : vector<256x1xf32> to vector<256x20xf32>
    %div3A_245 = arith.divf %mul3A_237, %div3A_244 : vector<256x20xf32>
    %gt3A = arith.constant 1.000000e-01 : f32
    %gt3A_246 = vector.broadcast %gt3A : f32 to vector<256x20xf32>
    %gt3A_247 = arith.cmpf ogt, %div3A_245, %gt3A_246 : vector<256x20xf32>
    %jit3A = arith.constant 0.000000e+00 : f32
    %broadcast_in_dim3A_248 = vector.broadcast %jit3A : f32 to vector<256x20xf32>
    %select_n3A = arith.select %gt3A_247, %div3A_245, %broadcast_in_dim3A_248 : vector<256x20xi1>, vector<256x20xf32>
    %slice3A_249 = vector.extract_strided_slice %convert_element_type3A_214 {offsets = [0, 1], sizes = [1, 1], strides = [1, 1]} : vector<3x8xf32> to vector<1x1xf32>
    %mul3A_250 = vector.broadcast %slice3A_249 : vector<1x1xf32> to vector<256x20xf32>
    %mul3A_251 = arith.mulf %convert_element_type3A_208, %mul3A_250 : vector<256x20xf32>
    %slice3A_252 = vector.extract_strided_slice %convert_element_type3A_214 {offsets = [1, 1], sizes = [1, 1], strides = [1, 1]} : vector<3x8xf32> to vector<1x1xf32>
    %mul3A_253 = vector.broadcast %slice3A_252 : vector<1x1xf32> to vector<256x20xf32>
    %mul3A_254 = arith.mulf %convert_element_type3A_210, %mul3A_253 : vector<256x20xf32>
    %add3A_255 = arith.addf %mul3A_251, %mul3A_254 : vector<256x20xf32>
    %slice3A_256 = vector.extract_strided_slice %convert_element_type3A_214 {offsets = [2, 1], sizes = [1, 1], strides = [1, 1]} : vector<3x8xf32> to vector<1x1xf32>
    %mul3A_257 = vector.broadcast %slice3A_256 : vector<1x1xf32> to vector<256x20xf32>
    %mul3A_258 = arith.mulf %convert_element_type3A_212, %mul3A_257 : vector<256x20xf32>
    %add3A_259 = arith.addf %add3A_255, %mul3A_258 : vector<256x20xf32>
    %slice3A_260 = vector.extract_strided_slice %get3A_4 {offsets = [1, 0], sizes = [1, 20], strides = [1, 1]} : vector<8x20xf32> to vector<1x20xf32>
    %add3A_261 = vector.broadcast %slice3A_260 : vector<1x20xf32> to vector<256x20xf32>
    %add3A_262 = arith.addf %add3A_259, %add3A_261 : vector<256x20xf32>
    %max3A_263 = arith.constant 0.000000e+00 : f32
    %max3A_264 = vector.broadcast %max3A_263 : f32 to vector<256x20xf32>
    %max3A_265 = arith.maximumf %add3A_262, %max3A_264 : vector<256x20xf32>
    %reduce_sum3A_266 = arith.constant dense<0.000000e+00> : vector<256xf32>
    %reduce_sum3A_267 = vector.multi_reduction <add>, %max3A_265, %reduce_sum3A_266 [1] : vector<256x20xf32> to vector<256xf32>
    %broadcast_in_dim3A_268 = vector.shape_cast %reduce_sum3A_267 : vector<256xf32> to vector<256x1xf32>
    %add3A_269 = arith.constant 9.99999997E-7 : f32
    %add3A_270 = vector.broadcast %add3A_269 : f32 to vector<256x1xf32>
    %add3A_271 = arith.addf %broadcast_in_dim3A_268, %add3A_270 : vector<256x1xf32>
    %div3A_272 = vector.broadcast %add3A_271 : vector<256x1xf32> to vector<256x20xf32>
    %div3A_273 = arith.divf %max3A_265, %div3A_272 : vector<256x20xf32>
    %mul3A_274 = arith.mulf %div3A_273, %div3A_273 : vector<256x20xf32>
    %reduce_sum3A_275 = arith.constant dense<0.000000e+00> : vector<256xf32>
    %reduce_sum3A_276 = vector.multi_reduction <add>, %mul3A_274, %reduce_sum3A_275 [1] : vector<256x20xf32> to vector<256xf32>
    %broadcast_in_dim3A_277 = vector.shape_cast %reduce_sum3A_276 : vector<256xf32> to vector<256x1xf32>
    %add3A_278 = arith.constant 9.99999997E-7 : f32
    %add3A_279 = vector.broadcast %add3A_278 : f32 to vector<256x1xf32>
    %add3A_280 = arith.addf %broadcast_in_dim3A_277, %add3A_279 : vector<256x1xf32>
    %div3A_281 = vector.broadcast %add3A_280 : vector<256x1xf32> to vector<256x20xf32>
    %div3A_282 = arith.divf %mul3A_274, %div3A_281 : vector<256x20xf32>
    %gt3A_283 = arith.constant 1.000000e-01 : f32
    %gt3A_284 = vector.broadcast %gt3A_283 : f32 to vector<256x20xf32>
    %gt3A_285 = arith.cmpf ogt, %div3A_282, %gt3A_284 : vector<256x20xf32>
    %jit3A_286 = arith.constant 0.000000e+00 : f32
    %broadcast_in_dim3A_287 = vector.broadcast %jit3A_286 : f32 to vector<256x20xf32>
    %select_n3A_288 = arith.select %gt3A_285, %div3A_282, %broadcast_in_dim3A_287 : vector<256x20xi1>, vector<256x20xf32>
    %slice3A_289 = vector.extract_strided_slice %convert_element_type3A_214 {offsets = [0, 2], sizes = [1, 1], strides = [1, 1]} : vector<3x8xf32> to vector<1x1xf32>
    %mul3A_290 = vector.broadcast %slice3A_289 : vector<1x1xf32> to vector<256x20xf32>
    %mul3A_291 = arith.mulf %convert_element_type3A_208, %mul3A_290 : vector<256x20xf32>
    %slice3A_292 = vector.extract_strided_slice %convert_element_type3A_214 {offsets = [1, 2], sizes = [1, 1], strides = [1, 1]} : vector<3x8xf32> to vector<1x1xf32>
    %mul3A_293 = vector.broadcast %slice3A_292 : vector<1x1xf32> to vector<256x20xf32>
    %mul3A_294 = arith.mulf %convert_element_type3A_210, %mul3A_293 : vector<256x20xf32>
    %add3A_295 = arith.addf %mul3A_291, %mul3A_294 : vector<256x20xf32>
    %slice3A_296 = vector.extract_strided_slice %convert_element_type3A_214 {offsets = [2, 2], sizes = [1, 1], strides = [1, 1]} : vector<3x8xf32> to vector<1x1xf32>
    %mul3A_297 = vector.broadcast %slice3A_296 : vector<1x1xf32> to vector<256x20xf32>
    %mul3A_298 = arith.mulf %convert_element_type3A_212, %mul3A_297 : vector<256x20xf32>
    %add3A_299 = arith.addf %add3A_295, %mul3A_298 : vector<256x20xf32>
    %slice3A_300 = vector.extract_strided_slice %get3A_4 {offsets = [2, 0], sizes = [1, 20], strides = [1, 1]} : vector<8x20xf32> to vector<1x20xf32>
    %add3A_301 = vector.broadcast %slice3A_300 : vector<1x20xf32> to vector<256x20xf32>
    %add3A_302 = arith.addf %add3A_299, %add3A_301 : vector<256x20xf32>
    %max3A_303 = arith.constant 0.000000e+00 : f32
    %max3A_304 = vector.broadcast %max3A_303 : f32 to vector<256x20xf32>
    %max3A_305 = arith.maximumf %add3A_302, %max3A_304 : vector<256x20xf32>
    %reduce_sum3A_306 = arith.constant dense<0.000000e+00> : vector<256xf32>
    %reduce_sum3A_307 = vector.multi_reduction <add>, %max3A_305, %reduce_sum3A_306 [1] : vector<256x20xf32> to vector<256xf32>
    %broadcast_in_dim3A_308 = vector.shape_cast %reduce_sum3A_307 : vector<256xf32> to vector<256x1xf32>
    %add3A_309 = arith.constant 9.99999997E-7 : f32
    %add3A_310 = vector.broadcast %add3A_309 : f32 to vector<256x1xf32>
    %add3A_311 = arith.addf %broadcast_in_dim3A_308, %add3A_310 : vector<256x1xf32>
    %div3A_312 = vector.broadcast %add3A_311 : vector<256x1xf32> to vector<256x20xf32>
    %div3A_313 = arith.divf %max3A_305, %div3A_312 : vector<256x20xf32>
    %mul3A_314 = arith.mulf %div3A_313, %div3A_313 : vector<256x20xf32>
    %reduce_sum3A_315 = arith.constant dense<0.000000e+00> : vector<256xf32>
    %reduce_sum3A_316 = vector.multi_reduction <add>, %mul3A_314, %reduce_sum3A_315 [1] : vector<256x20xf32> to vector<256xf32>
    %broadcast_in_dim3A_317 = vector.shape_cast %reduce_sum3A_316 : vector<256xf32> to vector<256x1xf32>
    %add3A_318 = arith.constant 9.99999997E-7 : f32
    %add3A_319 = vector.broadcast %add3A_318 : f32 to vector<256x1xf32>
    %add3A_320 = arith.addf %broadcast_in_dim3A_317, %add3A_319 : vector<256x1xf32>
    %div3A_321 = vector.broadcast %add3A_320 : vector<256x1xf32> to vector<256x20xf32>
    %div3A_322 = arith.divf %mul3A_314, %div3A_321 : vector<256x20xf32>
    %gt3A_323 = arith.constant 1.000000e-01 : f32
    %gt3A_324 = vector.broadcast %gt3A_323 : f32 to vector<256x20xf32>
    %gt3A_325 = arith.cmpf ogt, %div3A_322, %gt3A_324 : vector<256x20xf32>
    %jit3A_326 = arith.constant 0.000000e+00 : f32
    %broadcast_in_dim3A_327 = vector.broadcast %jit3A_326 : f32 to vector<256x20xf32>
    %select_n3A_328 = arith.select %gt3A_325, %div3A_322, %broadcast_in_dim3A_327 : vector<256x20xi1>, vector<256x20xf32>
    %slice3A_329 = vector.extract_strided_slice %convert_element_type3A_214 {offsets = [0, 3], sizes = [1, 1], strides = [1, 1]} : vector<3x8xf32> to vector<1x1xf32>
    %mul3A_330 = vector.broadcast %slice3A_329 : vector<1x1xf32> to vector<256x20xf32>
    %mul3A_331 = arith.mulf %convert_element_type3A_208, %mul3A_330 : vector<256x20xf32>
    %slice3A_332 = vector.extract_strided_slice %convert_element_type3A_214 {offsets = [1, 3], sizes = [1, 1], strides = [1, 1]} : vector<3x8xf32> to vector<1x1xf32>
    %mul3A_333 = vector.broadcast %slice3A_332 : vector<1x1xf32> to vector<256x20xf32>
    %mul3A_334 = arith.mulf %convert_element_type3A_210, %mul3A_333 : vector<256x20xf32>
    %add3A_335 = arith.addf %mul3A_331, %mul3A_334 : vector<256x20xf32>
    %slice3A_336 = vector.extract_strided_slice %convert_element_type3A_214 {offsets = [2, 3], sizes = [1, 1], strides = [1, 1]} : vector<3x8xf32> to vector<1x1xf32>
    %mul3A_337 = vector.broadcast %slice3A_336 : vector<1x1xf32> to vector<256x20xf32>
    %mul3A_338 = arith.mulf %convert_element_type3A_212, %mul3A_337 : vector<256x20xf32>
    %add3A_339 = arith.addf %add3A_335, %mul3A_338 : vector<256x20xf32>
    %slice3A_340 = vector.extract_strided_slice %get3A_4 {offsets = [3, 0], sizes = [1, 20], strides = [1, 1]} : vector<8x20xf32> to vector<1x20xf32>
    %add3A_341 = vector.broadcast %slice3A_340 : vector<1x20xf32> to vector<256x20xf32>
    %add3A_342 = arith.addf %add3A_339, %add3A_341 : vector<256x20xf32>
    %max3A_343 = arith.constant 0.000000e+00 : f32
    %max3A_344 = vector.broadcast %max3A_343 : f32 to vector<256x20xf32>
    %max3A_345 = arith.maximumf %add3A_342, %max3A_344 : vector<256x20xf32>
    %reduce_sum3A_346 = arith.constant dense<0.000000e+00> : vector<256xf32>
    %reduce_sum3A_347 = vector.multi_reduction <add>, %max3A_345, %reduce_sum3A_346 [1] : vector<256x20xf32> to vector<256xf32>
    %broadcast_in_dim3A_348 = vector.shape_cast %reduce_sum3A_347 : vector<256xf32> to vector<256x1xf32>
    %add3A_349 = arith.constant 9.99999997E-7 : f32
    %add3A_350 = vector.broadcast %add3A_349 : f32 to vector<256x1xf32>
    %add3A_351 = arith.addf %broadcast_in_dim3A_348, %add3A_350 : vector<256x1xf32>
    %div3A_352 = vector.broadcast %add3A_351 : vector<256x1xf32> to vector<256x20xf32>
    %div3A_353 = arith.divf %max3A_345, %div3A_352 : vector<256x20xf32>
    %mul3A_354 = arith.mulf %div3A_353, %div3A_353 : vector<256x20xf32>
    %reduce_sum3A_355 = arith.constant dense<0.000000e+00> : vector<256xf32>
    %reduce_sum3A_356 = vector.multi_reduction <add>, %mul3A_354, %reduce_sum3A_355 [1] : vector<256x20xf32> to vector<256xf32>
    %broadcast_in_dim3A_357 = vector.shape_cast %reduce_sum3A_356 : vector<256xf32> to vector<256x1xf32>
    %add3A_358 = arith.constant 9.99999997E-7 : f32
    %add3A_359 = vector.broadcast %add3A_358 : f32 to vector<256x1xf32>
    %add3A_360 = arith.addf %broadcast_in_dim3A_357, %add3A_359 : vector<256x1xf32>
    %div3A_361 = vector.broadcast %add3A_360 : vector<256x1xf32> to vector<256x20xf32>
    %div3A_362 = arith.divf %mul3A_354, %div3A_361 : vector<256x20xf32>
    %gt3A_363 = arith.constant 1.000000e-01 : f32
    %gt3A_364 = vector.broadcast %gt3A_363 : f32 to vector<256x20xf32>
    %gt3A_365 = arith.cmpf ogt, %div3A_362, %gt3A_364 : vector<256x20xf32>
    %jit3A_366 = arith.constant 0.000000e+00 : f32
    %broadcast_in_dim3A_367 = vector.broadcast %jit3A_366 : f32 to vector<256x20xf32>
    %select_n3A_368 = arith.select %gt3A_365, %div3A_362, %broadcast_in_dim3A_367 : vector<256x20xi1>, vector<256x20xf32>
    %slice3A_369 = vector.extract_strided_slice %convert_element_type3A_214 {offsets = [0, 4], sizes = [1, 1], strides = [1, 1]} : vector<3x8xf32> to vector<1x1xf32>
    %mul3A_370 = vector.broadcast %slice3A_369 : vector<1x1xf32> to vector<256x20xf32>
    %mul3A_371 = arith.mulf %convert_element_type3A_208, %mul3A_370 : vector<256x20xf32>
    %slice3A_372 = vector.extract_strided_slice %convert_element_type3A_214 {offsets = [1, 4], sizes = [1, 1], strides = [1, 1]} : vector<3x8xf32> to vector<1x1xf32>
    %mul3A_373 = vector.broadcast %slice3A_372 : vector<1x1xf32> to vector<256x20xf32>
    %mul3A_374 = arith.mulf %convert_element_type3A_210, %mul3A_373 : vector<256x20xf32>
    %add3A_375 = arith.addf %mul3A_371, %mul3A_374 : vector<256x20xf32>
    %slice3A_376 = vector.extract_strided_slice %convert_element_type3A_214 {offsets = [2, 4], sizes = [1, 1], strides = [1, 1]} : vector<3x8xf32> to vector<1x1xf32>
    %mul3A_377 = vector.broadcast %slice3A_376 : vector<1x1xf32> to vector<256x20xf32>
    %mul3A_378 = arith.mulf %convert_element_type3A_212, %mul3A_377 : vector<256x20xf32>
    %add3A_379 = arith.addf %add3A_375, %mul3A_378 : vector<256x20xf32>
    %slice3A_380 = vector.extract_strided_slice %get3A_4 {offsets = [4, 0], sizes = [1, 20], strides = [1, 1]} : vector<8x20xf32> to vector<1x20xf32>
    %add3A_381 = vector.broadcast %slice3A_380 : vector<1x20xf32> to vector<256x20xf32>
    %add3A_382 = arith.addf %add3A_379, %add3A_381 : vector<256x20xf32>
    %max3A_383 = arith.constant 0.000000e+00 : f32
    %max3A_384 = vector.broadcast %max3A_383 : f32 to vector<256x20xf32>
    %max3A_385 = arith.maximumf %add3A_382, %max3A_384 : vector<256x20xf32>
    %reduce_sum3A_386 = arith.constant dense<0.000000e+00> : vector<256xf32>
    %reduce_sum3A_387 = vector.multi_reduction <add>, %max3A_385, %reduce_sum3A_386 [1] : vector<256x20xf32> to vector<256xf32>
    %broadcast_in_dim3A_388 = vector.shape_cast %reduce_sum3A_387 : vector<256xf32> to vector<256x1xf32>
    %add3A_389 = arith.constant 9.99999997E-7 : f32
    %add3A_390 = vector.broadcast %add3A_389 : f32 to vector<256x1xf32>
    %add3A_391 = arith.addf %broadcast_in_dim3A_388, %add3A_390 : vector<256x1xf32>
    %div3A_392 = vector.broadcast %add3A_391 : vector<256x1xf32> to vector<256x20xf32>
    %div3A_393 = arith.divf %max3A_385, %div3A_392 : vector<256x20xf32>
    %mul3A_394 = arith.mulf %div3A_393, %div3A_393 : vector<256x20xf32>
    %reduce_sum3A_395 = arith.constant dense<0.000000e+00> : vector<256xf32>
    %reduce_sum3A_396 = vector.multi_reduction <add>, %mul3A_394, %reduce_sum3A_395 [1] : vector<256x20xf32> to vector<256xf32>
    %broadcast_in_dim3A_397 = vector.shape_cast %reduce_sum3A_396 : vector<256xf32> to vector<256x1xf32>
    %add3A_398 = arith.constant 9.99999997E-7 : f32
    %add3A_399 = vector.broadcast %add3A_398 : f32 to vector<256x1xf32>
    %add3A_400 = arith.addf %broadcast_in_dim3A_397, %add3A_399 : vector<256x1xf32>
    %div3A_401 = vector.broadcast %add3A_400 : vector<256x1xf32> to vector<256x20xf32>
    %div3A_402 = arith.divf %mul3A_394, %div3A_401 : vector<256x20xf32>
    %gt3A_403 = arith.constant 1.000000e-01 : f32
    %gt3A_404 = vector.broadcast %gt3A_403 : f32 to vector<256x20xf32>
    %gt3A_405 = arith.cmpf ogt, %div3A_402, %gt3A_404 : vector<256x20xf32>
    %jit3A_406 = arith.constant 0.000000e+00 : f32
    %broadcast_in_dim3A_407 = vector.broadcast %jit3A_406 : f32 to vector<256x20xf32>
    %select_n3A_408 = arith.select %gt3A_405, %div3A_402, %broadcast_in_dim3A_407 : vector<256x20xi1>, vector<256x20xf32>
    %slice3A_409 = vector.extract_strided_slice %convert_element_type3A_214 {offsets = [0, 5], sizes = [1, 1], strides = [1, 1]} : vector<3x8xf32> to vector<1x1xf32>
    %mul3A_410 = vector.broadcast %slice3A_409 : vector<1x1xf32> to vector<256x20xf32>
    %mul3A_411 = arith.mulf %convert_element_type3A_208, %mul3A_410 : vector<256x20xf32>
    %slice3A_412 = vector.extract_strided_slice %convert_element_type3A_214 {offsets = [1, 5], sizes = [1, 1], strides = [1, 1]} : vector<3x8xf32> to vector<1x1xf32>
    %mul3A_413 = vector.broadcast %slice3A_412 : vector<1x1xf32> to vector<256x20xf32>
    %mul3A_414 = arith.mulf %convert_element_type3A_210, %mul3A_413 : vector<256x20xf32>
    %add3A_415 = arith.addf %mul3A_411, %mul3A_414 : vector<256x20xf32>
    %slice3A_416 = vector.extract_strided_slice %convert_element_type3A_214 {offsets = [2, 5], sizes = [1, 1], strides = [1, 1]} : vector<3x8xf32> to vector<1x1xf32>
    %mul3A_417 = vector.broadcast %slice3A_416 : vector<1x1xf32> to vector<256x20xf32>
    %mul3A_418 = arith.mulf %convert_element_type3A_212, %mul3A_417 : vector<256x20xf32>
    %add3A_419 = arith.addf %add3A_415, %mul3A_418 : vector<256x20xf32>
    %slice3A_420 = vector.extract_strided_slice %get3A_4 {offsets = [5, 0], sizes = [1, 20], strides = [1, 1]} : vector<8x20xf32> to vector<1x20xf32>
    %add3A_421 = vector.broadcast %slice3A_420 : vector<1x20xf32> to vector<256x20xf32>
    %add3A_422 = arith.addf %add3A_419, %add3A_421 : vector<256x20xf32>
    %max3A_423 = arith.constant 0.000000e+00 : f32
    %max3A_424 = vector.broadcast %max3A_423 : f32 to vector<256x20xf32>
    %max3A_425 = arith.maximumf %add3A_422, %max3A_424 : vector<256x20xf32>
    %reduce_sum3A_426 = arith.constant dense<0.000000e+00> : vector<256xf32>
    %reduce_sum3A_427 = vector.multi_reduction <add>, %max3A_425, %reduce_sum3A_426 [1] : vector<256x20xf32> to vector<256xf32>
    %broadcast_in_dim3A_428 = vector.shape_cast %reduce_sum3A_427 : vector<256xf32> to vector<256x1xf32>
    %add3A_429 = arith.constant 9.99999997E-7 : f32
    %add3A_430 = vector.broadcast %add3A_429 : f32 to vector<256x1xf32>
    %add3A_431 = arith.addf %broadcast_in_dim3A_428, %add3A_430 : vector<256x1xf32>
    %div3A_432 = vector.broadcast %add3A_431 : vector<256x1xf32> to vector<256x20xf32>
    %div3A_433 = arith.divf %max3A_425, %div3A_432 : vector<256x20xf32>
    %mul3A_434 = arith.mulf %div3A_433, %div3A_433 : vector<256x20xf32>
    %reduce_sum3A_435 = arith.constant dense<0.000000e+00> : vector<256xf32>
    %reduce_sum3A_436 = vector.multi_reduction <add>, %mul3A_434, %reduce_sum3A_435 [1] : vector<256x20xf32> to vector<256xf32>
    %broadcast_in_dim3A_437 = vector.shape_cast %reduce_sum3A_436 : vector<256xf32> to vector<256x1xf32>
    %add3A_438 = arith.constant 9.99999997E-7 : f32
    %add3A_439 = vector.broadcast %add3A_438 : f32 to vector<256x1xf32>
    %add3A_440 = arith.addf %broadcast_in_dim3A_437, %add3A_439 : vector<256x1xf32>
    %div3A_441 = vector.broadcast %add3A_440 : vector<256x1xf32> to vector<256x20xf32>
    %div3A_442 = arith.divf %mul3A_434, %div3A_441 : vector<256x20xf32>
    %gt3A_443 = arith.constant 1.000000e-01 : f32
    %gt3A_444 = vector.broadcast %gt3A_443 : f32 to vector<256x20xf32>
    %gt3A_445 = arith.cmpf ogt, %div3A_442, %gt3A_444 : vector<256x20xf32>
    %jit3A_446 = arith.constant 0.000000e+00 : f32
    %broadcast_in_dim3A_447 = vector.broadcast %jit3A_446 : f32 to vector<256x20xf32>
    %select_n3A_448 = arith.select %gt3A_445, %div3A_442, %broadcast_in_dim3A_447 : vector<256x20xi1>, vector<256x20xf32>
    %slice3A_449 = vector.extract_strided_slice %convert_element_type3A_214 {offsets = [0, 6], sizes = [1, 1], strides = [1, 1]} : vector<3x8xf32> to vector<1x1xf32>
    %mul3A_450 = vector.broadcast %slice3A_449 : vector<1x1xf32> to vector<256x20xf32>
    %mul3A_451 = arith.mulf %convert_element_type3A_208, %mul3A_450 : vector<256x20xf32>
    %slice3A_452 = vector.extract_strided_slice %convert_element_type3A_214 {offsets = [1, 6], sizes = [1, 1], strides = [1, 1]} : vector<3x8xf32> to vector<1x1xf32>
    %mul3A_453 = vector.broadcast %slice3A_452 : vector<1x1xf32> to vector<256x20xf32>
    %mul3A_454 = arith.mulf %convert_element_type3A_210, %mul3A_453 : vector<256x20xf32>
    %add3A_455 = arith.addf %mul3A_451, %mul3A_454 : vector<256x20xf32>
    %slice3A_456 = vector.extract_strided_slice %convert_element_type3A_214 {offsets = [2, 6], sizes = [1, 1], strides = [1, 1]} : vector<3x8xf32> to vector<1x1xf32>
    %mul3A_457 = vector.broadcast %slice3A_456 : vector<1x1xf32> to vector<256x20xf32>
    %mul3A_458 = arith.mulf %convert_element_type3A_212, %mul3A_457 : vector<256x20xf32>
    %add3A_459 = arith.addf %add3A_455, %mul3A_458 : vector<256x20xf32>
    %slice3A_460 = vector.extract_strided_slice %get3A_4 {offsets = [6, 0], sizes = [1, 20], strides = [1, 1]} : vector<8x20xf32> to vector<1x20xf32>
    %add3A_461 = vector.broadcast %slice3A_460 : vector<1x20xf32> to vector<256x20xf32>
    %add3A_462 = arith.addf %add3A_459, %add3A_461 : vector<256x20xf32>
    %max3A_463 = arith.constant 0.000000e+00 : f32
    %max3A_464 = vector.broadcast %max3A_463 : f32 to vector<256x20xf32>
    %max3A_465 = arith.maximumf %add3A_462, %max3A_464 : vector<256x20xf32>
    %reduce_sum3A_466 = arith.constant dense<0.000000e+00> : vector<256xf32>
    %reduce_sum3A_467 = vector.multi_reduction <add>, %max3A_465, %reduce_sum3A_466 [1] : vector<256x20xf32> to vector<256xf32>
    %broadcast_in_dim3A_468 = vector.shape_cast %reduce_sum3A_467 : vector<256xf32> to vector<256x1xf32>
    %add3A_469 = arith.constant 9.99999997E-7 : f32
    %add3A_470 = vector.broadcast %add3A_469 : f32 to vector<256x1xf32>
    %add3A_471 = arith.addf %broadcast_in_dim3A_468, %add3A_470 : vector<256x1xf32>
    %div3A_472 = vector.broadcast %add3A_471 : vector<256x1xf32> to vector<256x20xf32>
    %div3A_473 = arith.divf %max3A_465, %div3A_472 : vector<256x20xf32>
    %mul3A_474 = arith.mulf %div3A_473, %div3A_473 : vector<256x20xf32>
    %reduce_sum3A_475 = arith.constant dense<0.000000e+00> : vector<256xf32>
    %reduce_sum3A_476 = vector.multi_reduction <add>, %mul3A_474, %reduce_sum3A_475 [1] : vector<256x20xf32> to vector<256xf32>
    %broadcast_in_dim3A_477 = vector.shape_cast %reduce_sum3A_476 : vector<256xf32> to vector<256x1xf32>
    %add3A_478 = arith.constant 9.99999997E-7 : f32
    %add3A_479 = vector.broadcast %add3A_478 : f32 to vector<256x1xf32>
    %add3A_480 = arith.addf %broadcast_in_dim3A_477, %add3A_479 : vector<256x1xf32>
    %div3A_481 = vector.broadcast %add3A_480 : vector<256x1xf32> to vector<256x20xf32>
    %div3A_482 = arith.divf %mul3A_474, %div3A_481 : vector<256x20xf32>
    %gt3A_483 = arith.constant 1.000000e-01 : f32
    %gt3A_484 = vector.broadcast %gt3A_483 : f32 to vector<256x20xf32>
    %gt3A_485 = arith.cmpf ogt, %div3A_482, %gt3A_484 : vector<256x20xf32>
    %jit3A_486 = arith.constant 0.000000e+00 : f32
    %broadcast_in_dim3A_487 = vector.broadcast %jit3A_486 : f32 to vector<256x20xf32>
    %select_n3A_488 = arith.select %gt3A_485, %div3A_482, %broadcast_in_dim3A_487 : vector<256x20xi1>, vector<256x20xf32>
    %slice3A_489 = vector.extract_strided_slice %convert_element_type3A_214 {offsets = [0, 7], sizes = [1, 1], strides = [1, 1]} : vector<3x8xf32> to vector<1x1xf32>
    %mul3A_490 = vector.broadcast %slice3A_489 : vector<1x1xf32> to vector<256x20xf32>
    %mul3A_491 = arith.mulf %convert_element_type3A_208, %mul3A_490 : vector<256x20xf32>
    %slice3A_492 = vector.extract_strided_slice %convert_element_type3A_214 {offsets = [1, 7], sizes = [1, 1], strides = [1, 1]} : vector<3x8xf32> to vector<1x1xf32>
    %mul3A_493 = vector.broadcast %slice3A_492 : vector<1x1xf32> to vector<256x20xf32>
    %mul3A_494 = arith.mulf %convert_element_type3A_210, %mul3A_493 : vector<256x20xf32>
    %add3A_495 = arith.addf %mul3A_491, %mul3A_494 : vector<256x20xf32>
    %slice3A_496 = vector.extract_strided_slice %convert_element_type3A_214 {offsets = [2, 7], sizes = [1, 1], strides = [1, 1]} : vector<3x8xf32> to vector<1x1xf32>
    %mul3A_497 = vector.broadcast %slice3A_496 : vector<1x1xf32> to vector<256x20xf32>
    %mul3A_498 = arith.mulf %convert_element_type3A_212, %mul3A_497 : vector<256x20xf32>
    %add3A_499 = arith.addf %add3A_495, %mul3A_498 : vector<256x20xf32>
    %slice3A_500 = vector.extract_strided_slice %get3A_4 {offsets = [7, 0], sizes = [1, 20], strides = [1, 1]} : vector<8x20xf32> to vector<1x20xf32>
    %add3A_501 = vector.broadcast %slice3A_500 : vector<1x20xf32> to vector<256x20xf32>
    %add3A_502 = arith.addf %add3A_499, %add3A_501 : vector<256x20xf32>
    %max3A_503 = arith.constant 0.000000e+00 : f32
    %max3A_504 = vector.broadcast %max3A_503 : f32 to vector<256x20xf32>
    %max3A_505 = arith.maximumf %add3A_502, %max3A_504 : vector<256x20xf32>
    %reduce_sum3A_506 = arith.constant dense<0.000000e+00> : vector<256xf32>
    %reduce_sum3A_507 = vector.multi_reduction <add>, %max3A_505, %reduce_sum3A_506 [1] : vector<256x20xf32> to vector<256xf32>
    %broadcast_in_dim3A_508 = vector.shape_cast %reduce_sum3A_507 : vector<256xf32> to vector<256x1xf32>
    %add3A_509 = arith.constant 9.99999997E-7 : f32
    %add3A_510 = vector.broadcast %add3A_509 : f32 to vector<256x1xf32>
    %add3A_511 = arith.addf %broadcast_in_dim3A_508, %add3A_510 : vector<256x1xf32>
    %div3A_512 = vector.broadcast %add3A_511 : vector<256x1xf32> to vector<256x20xf32>
    %div3A_513 = arith.divf %max3A_505, %div3A_512 : vector<256x20xf32>
    %mul3A_514 = arith.mulf %div3A_513, %div3A_513 : vector<256x20xf32>
    %reduce_sum3A_515 = arith.constant dense<0.000000e+00> : vector<256xf32>
    %reduce_sum3A_516 = vector.multi_reduction <add>, %mul3A_514, %reduce_sum3A_515 [1] : vector<256x20xf32> to vector<256xf32>
    %broadcast_in_dim3A_517 = vector.shape_cast %reduce_sum3A_516 : vector<256xf32> to vector<256x1xf32>
    %add3A_518 = arith.constant 9.99999997E-7 : f32
    %add3A_519 = vector.broadcast %add3A_518 : f32 to vector<256x1xf32>
    %add3A_520 = arith.addf %broadcast_in_dim3A_517, %add3A_519 : vector<256x1xf32>
    %div3A_521 = vector.broadcast %add3A_520 : vector<256x1xf32> to vector<256x20xf32>
    %div3A_522 = arith.divf %mul3A_514, %div3A_521 : vector<256x20xf32>
    %gt3A_523 = arith.constant 1.000000e-01 : f32
    %gt3A_524 = vector.broadcast %gt3A_523 : f32 to vector<256x20xf32>
    %gt3A_525 = arith.cmpf ogt, %div3A_522, %gt3A_524 : vector<256x20xf32>
    %jit3A_526 = arith.constant 0.000000e+00 : f32
    %broadcast_in_dim3A_527 = vector.broadcast %jit3A_526 : f32 to vector<256x20xf32>
    %select_n3A_528 = arith.select %gt3A_525, %div3A_522, %broadcast_in_dim3A_527 : vector<256x20xi1>, vector<256x20xf32>
    %concatenate3A_529 = tpu.concatenate %select_n3A, %select_n3A, %select_n3A, %select_n3A, %select_n3A, %select_n3A, %select_n3A, %select_n3A in 1 : vector<256x20xf32>, vector<256x20xf32>, vector<256x20xf32>, vector<256x20xf32>, vector<256x20xf32>, vector<256x20xf32>, vector<256x20xf32>, vector<256x20xf32> -> vector<256x160xf32>
    %mul3A_530 = arith.mulf %concatenate3A_207, %concatenate3A_529 : vector<256x160xf32>
    %concatenate3A_531 = tpu.concatenate %select_n3A_288, %select_n3A_288, %select_n3A_288, %select_n3A_288, %select_n3A_288, %select_n3A_288, %select_n3A_288, %select_n3A_288 in 1 : vector<256x20xf32>, vector<256x20xf32>, vector<256x20xf32>, vector<256x20xf32>, vector<256x20xf32>, vector<256x20xf32>, vector<256x20xf32>, vector<256x20xf32> -> vector<256x160xf32>
    %mul3A_532 = arith.mulf %concatenate3A_207, %concatenate3A_531 : vector<256x160xf32>
    %concatenate3A_533 = tpu.concatenate %select_n3A_328, %select_n3A_328, %select_n3A_328, %select_n3A_328, %select_n3A_328, %select_n3A_328, %select_n3A_328, %select_n3A_328 in 1 : vector<256x20xf32>, vector<256x20xf32>, vector<256x20xf32>, vector<256x20xf32>, vector<256x20xf32>, vector<256x20xf32>, vector<256x20xf32>, vector<256x20xf32> -> vector<256x160xf32>
    %mul3A_534 = arith.mulf %concatenate3A_207, %concatenate3A_533 : vector<256x160xf32>
    %concatenate3A_535 = tpu.concatenate %select_n3A_368, %select_n3A_368, %select_n3A_368, %select_n3A_368, %select_n3A_368, %select_n3A_368, %select_n3A_368, %select_n3A_368 in 1 : vector<256x20xf32>, vector<256x20xf32>, vector<256x20xf32>, vector<256x20xf32>, vector<256x20xf32>, vector<256x20xf32>, vector<256x20xf32>, vector<256x20xf32> -> vector<256x160xf32>
    %mul3A_536 = arith.mulf %concatenate3A_207, %concatenate3A_535 : vector<256x160xf32>
    %concatenate3A_537 = tpu.concatenate %select_n3A_408, %select_n3A_408, %select_n3A_408, %select_n3A_408, %select_n3A_408, %select_n3A_408, %select_n3A_408, %select_n3A_408 in 1 : vector<256x20xf32>, vector<256x20xf32>, vector<256x20xf32>, vector<256x20xf32>, vector<256x20xf32>, vector<256x20xf32>, vector<256x20xf32>, vector<256x20xf32> -> vector<256x160xf32>
    %mul3A_538 = arith.mulf %concatenate3A_207, %concatenate3A_537 : vector<256x160xf32>
    %concatenate3A_539 = tpu.concatenate %select_n3A_448, %select_n3A_448, %select_n3A_448, %select_n3A_448, %select_n3A_448, %select_n3A_448, %select_n3A_448, %select_n3A_448 in 1 : vector<256x20xf32>, vector<256x20xf32>, vector<256x20xf32>, vector<256x20xf32>, vector<256x20xf32>, vector<256x20xf32>, vector<256x20xf32>, vector<256x20xf32> -> vector<256x160xf32>
    %mul3A_540 = arith.mulf %concatenate3A_207, %concatenate3A_539 : vector<256x160xf32>
    %concatenate3A_541 = tpu.concatenate %select_n3A_488, %select_n3A_488, %select_n3A_488, %select_n3A_488, %select_n3A_488, %select_n3A_488, %select_n3A_488, %select_n3A_488 in 1 : vector<256x20xf32>, vector<256x20xf32>, vector<256x20xf32>, vector<256x20xf32>, vector<256x20xf32>, vector<256x20xf32>, vector<256x20xf32>, vector<256x20xf32> -> vector<256x160xf32>
    %mul3A_542 = arith.mulf %concatenate3A_207, %concatenate3A_541 : vector<256x160xf32>
    %concatenate3A_543 = tpu.concatenate %select_n3A_528, %select_n3A_528, %select_n3A_528, %select_n3A_528, %select_n3A_528, %select_n3A_528, %select_n3A_528, %select_n3A_528 in 1 : vector<256x20xf32>, vector<256x20xf32>, vector<256x20xf32>, vector<256x20xf32>, vector<256x20xf32>, vector<256x20xf32>, vector<256x20xf32>, vector<256x20xf32> -> vector<256x160xf32>
    %mul3A_544 = arith.mulf %concatenate3A_207, %concatenate3A_543 : vector<256x160xf32>
    %concatenate3A_545 = tpu.concatenate %mul3A_530, %mul3A_532, %mul3A_534, %mul3A_536, %mul3A_538, %mul3A_540, %mul3A_542, %mul3A_544 in 1 : vector<256x160xf32>, vector<256x160xf32>, vector<256x160xf32>, vector<256x160xf32>, vector<256x160xf32>, vector<256x160xf32>, vector<256x160xf32>, vector<256x160xf32> -> vector<256x1280xf32>
    %get3A_546 = arith.constant 0 : index
    %get3A_547 = arith.constant 0 : index
    %get3A_548 = vector.load %arg1[%get3A_546, %get3A_547] : memref<256x2560xf32, #tpu.memory_space<vmem>>, vector<256x64xf32>
    %slice3A_549 = vector.extract_strided_slice %select_n3A {offsets = [0, 0], sizes = [256, 1], strides = [1, 1]} : vector<256x20xf32> to vector<256x1xf32>
    %mul3A_550 = vector.broadcast %slice3A_549 : vector<256x1xf32> to vector<256x64xf32>
    %mul3A_551 = arith.mulf %get3A_548, %mul3A_550 : vector<256x64xf32>
    %slice3A_552 = vector.extract_strided_slice %select_n3A_288 {offsets = [0, 0], sizes = [256, 1], strides = [1, 1]} : vector<256x20xf32> to vector<256x1xf32>
    %mul3A_553 = vector.broadcast %slice3A_552 : vector<256x1xf32> to vector<256x64xf32>
    %mul3A_554 = arith.mulf %get3A_548, %mul3A_553 : vector<256x64xf32>
    %slice3A_555 = vector.extract_strided_slice %select_n3A_328 {offsets = [0, 0], sizes = [256, 1], strides = [1, 1]} : vector<256x20xf32> to vector<256x1xf32>
    %mul3A_556 = vector.broadcast %slice3A_555 : vector<256x1xf32> to vector<256x64xf32>
    %mul3A_557 = arith.mulf %get3A_548, %mul3A_556 : vector<256x64xf32>
    %slice3A_558 = vector.extract_strided_slice %select_n3A_368 {offsets = [0, 0], sizes = [256, 1], strides = [1, 1]} : vector<256x20xf32> to vector<256x1xf32>
    %mul3A_559 = vector.broadcast %slice3A_558 : vector<256x1xf32> to vector<256x64xf32>
    %mul3A_560 = arith.mulf %get3A_548, %mul3A_559 : vector<256x64xf32>
    %slice3A_561 = vector.extract_strided_slice %select_n3A_408 {offsets = [0, 0], sizes = [256, 1], strides = [1, 1]} : vector<256x20xf32> to vector<256x1xf32>
    %mul3A_562 = vector.broadcast %slice3A_561 : vector<256x1xf32> to vector<256x64xf32>
    %mul3A_563 = arith.mulf %get3A_548, %mul3A_562 : vector<256x64xf32>
    %slice3A_564 = vector.extract_strided_slice %select_n3A_448 {offsets = [0, 0], sizes = [256, 1], strides = [1, 1]} : vector<256x20xf32> to vector<256x1xf32>
    %mul3A_565 = vector.broadcast %slice3A_564 : vector<256x1xf32> to vector<256x64xf32>
    %mul3A_566 = arith.mulf %get3A_548, %mul3A_565 : vector<256x64xf32>
    %slice3A_567 = vector.extract_strided_slice %select_n3A_488 {offsets = [0, 0], sizes = [256, 1], strides = [1, 1]} : vector<256x20xf32> to vector<256x1xf32>
    %mul3A_568 = vector.broadcast %slice3A_567 : vector<256x1xf32> to vector<256x64xf32>
    %mul3A_569 = arith.mulf %get3A_548, %mul3A_568 : vector<256x64xf32>
    %slice3A_570 = vector.extract_strided_slice %select_n3A_528 {offsets = [0, 0], sizes = [256, 1], strides = [1, 1]} : vector<256x20xf32> to vector<256x1xf32>
    %mul3A_571 = vector.broadcast %slice3A_570 : vector<256x1xf32> to vector<256x64xf32>
    %mul3A_572 = arith.mulf %get3A_548, %mul3A_571 : vector<256x64xf32>
    %get3A_573 = arith.constant 0 : index
    %get3A_574 = arith.constant 128 : index
    %get3A_575 = vector.load %arg1[%get3A_573, %get3A_574] : memref<256x2560xf32, #tpu.memory_space<vmem>>, vector<256x64xf32>
    %slice3A_576 = vector.extract_strided_slice %select_n3A {offsets = [0, 1], sizes = [256, 1], strides = [1, 1]} : vector<256x20xf32> to vector<256x1xf32>
    %mul3A_577 = vector.broadcast %slice3A_576 : vector<256x1xf32> to vector<256x64xf32>
    %mul3A_578 = arith.mulf %get3A_575, %mul3A_577 : vector<256x64xf32>
    %add3A_579 = arith.addf %mul3A_551, %mul3A_578 : vector<256x64xf32>
    %slice3A_580 = vector.extract_strided_slice %select_n3A_288 {offsets = [0, 1], sizes = [256, 1], strides = [1, 1]} : vector<256x20xf32> to vector<256x1xf32>
    %mul3A_581 = vector.broadcast %slice3A_580 : vector<256x1xf32> to vector<256x64xf32>
    %mul3A_582 = arith.mulf %get3A_575, %mul3A_581 : vector<256x64xf32>
    %add3A_583 = arith.addf %mul3A_554, %mul3A_582 : vector<256x64xf32>
    %slice3A_584 = vector.extract_strided_slice %select_n3A_328 {offsets = [0, 1], sizes = [256, 1], strides = [1, 1]} : vector<256x20xf32> to vector<256x1xf32>
    %mul3A_585 = vector.broadcast %slice3A_584 : vector<256x1xf32> to vector<256x64xf32>
    %mul3A_586 = arith.mulf %get3A_575, %mul3A_585 : vector<256x64xf32>
    %add3A_587 = arith.addf %mul3A_557, %mul3A_586 : vector<256x64xf32>
    %slice3A_588 = vector.extract_strided_slice %select_n3A_368 {offsets = [0, 1], sizes = [256, 1], strides = [1, 1]} : vector<256x20xf32> to vector<256x1xf32>
    %mul3A_589 = vector.broadcast %slice3A_588 : vector<256x1xf32> to vector<256x64xf32>
    %mul3A_590 = arith.mulf %get3A_575, %mul3A_589 : vector<256x64xf32>
    %add3A_591 = arith.addf %mul3A_560, %mul3A_590 : vector<256x64xf32>
    %slice3A_592 = vector.extract_strided_slice %select_n3A_408 {offsets = [0, 1], sizes = [256, 1], strides = [1, 1]} : vector<256x20xf32> to vector<256x1xf32>
    %mul3A_593 = vector.broadcast %slice3A_592 : vector<256x1xf32> to vector<256x64xf32>
    %mul3A_594 = arith.mulf %get3A_575, %mul3A_593 : vector<256x64xf32>
    %add3A_595 = arith.addf %mul3A_563, %mul3A_594 : vector<256x64xf32>
    %slice3A_596 = vector.extract_strided_slice %select_n3A_448 {offsets = [0, 1], sizes = [256, 1], strides = [1, 1]} : vector<256x20xf32> to vector<256x1xf32>
    %mul3A_597 = vector.broadcast %slice3A_596 : vector<256x1xf32> to vector<256x64xf32>
    %mul3A_598 = arith.mulf %get3A_575, %mul3A_597 : vector<256x64xf32>
    %add3A_599 = arith.addf %mul3A_566, %mul3A_598 : vector<256x64xf32>
    %slice3A_600 = vector.extract_strided_slice %select_n3A_488 {offsets = [0, 1], sizes = [256, 1], strides = [1, 1]} : vector<256x20xf32> to vector<256x1xf32>
    %mul3A_601 = vector.broadcast %slice3A_600 : vector<256x1xf32> to vector<256x64xf32>
    %mul3A_602 = arith.mulf %get3A_575, %mul3A_601 : vector<256x64xf32>
    %add3A_603 = arith.addf %mul3A_569, %mul3A_602 : vector<256x64xf32>
    %slice3A_604 = vector.extract_strided_slice %select_n3A_528 {offsets = [0, 1], sizes = [256, 1], strides = [1, 1]} : vector<256x20xf32> to vector<256x1xf32>
    %mul3A_605 = vector.broadcast %slice3A_604 : vector<256x1xf32> to vector<256x64xf32>
    %mul3A_606 = arith.mulf %get3A_575, %mul3A_605 : vector<256x64xf32>
    %add3A_607 = arith.addf %mul3A_572, %mul3A_606 : vector<256x64xf32>
    %get3A_608 = arith.constant 0 : index
    %get3A_609 = arith.constant 256 : index
    %get3A_610 = vector.load %arg1[%get3A_608, %get3A_609] : memref<256x2560xf32, #tpu.memory_space<vmem>>, vector<256x64xf32>
    %slice3A_611 = vector.extract_strided_slice %select_n3A {offsets = [0, 2], sizes = [256, 1], strides = [1, 1]} : vector<256x20xf32> to vector<256x1xf32>
    %mul3A_612 = vector.broadcast %slice3A_611 : vector<256x1xf32> to vector<256x64xf32>
    %mul3A_613 = arith.mulf %get3A_610, %mul3A_612 : vector<256x64xf32>
    %add3A_614 = arith.addf %add3A_579, %mul3A_613 : vector<256x64xf32>
    %slice3A_615 = vector.extract_strided_slice %select_n3A_288 {offsets = [0, 2], sizes = [256, 1], strides = [1, 1]} : vector<256x20xf32> to vector<256x1xf32>
    %mul3A_616 = vector.broadcast %slice3A_615 : vector<256x1xf32> to vector<256x64xf32>
    %mul3A_617 = arith.mulf %get3A_610, %mul3A_616 : vector<256x64xf32>
    %add3A_618 = arith.addf %add3A_583, %mul3A_617 : vector<256x64xf32>
    %slice3A_619 = vector.extract_strided_slice %select_n3A_328 {offsets = [0, 2], sizes = [256, 1], strides = [1, 1]} : vector<256x20xf32> to vector<256x1xf32>
    %mul3A_620 = vector.broadcast %slice3A_619 : vector<256x1xf32> to vector<256x64xf32>
    %mul3A_621 = arith.mulf %get3A_610, %mul3A_620 : vector<256x64xf32>
    %add3A_622 = arith.addf %add3A_587, %mul3A_621 : vector<256x64xf32>
    %slice3A_623 = vector.extract_strided_slice %select_n3A_368 {offsets = [0, 2], sizes = [256, 1], strides = [1, 1]} : vector<256x20xf32> to vector<256x1xf32>
    %mul3A_624 = vector.broadcast %slice3A_623 : vector<256x1xf32> to vector<256x64xf32>
    %mul3A_625 = arith.mulf %get3A_610, %mul3A_624 : vector<256x64xf32>
    %add3A_626 = arith.addf %add3A_591, %mul3A_625 : vector<256x64xf32>
    %slice3A_627 = vector.extract_strided_slice %select_n3A_408 {offsets = [0, 2], sizes = [256, 1], strides = [1, 1]} : vector<256x20xf32> to vector<256x1xf32>
    %mul3A_628 = vector.broadcast %slice3A_627 : vector<256x1xf32> to vector<256x64xf32>
    %mul3A_629 = arith.mulf %get3A_610, %mul3A_628 : vector<256x64xf32>
    %add3A_630 = arith.addf %add3A_595, %mul3A_629 : vector<256x64xf32>
    %slice3A_631 = vector.extract_strided_slice %select_n3A_448 {offsets = [0, 2], sizes = [256, 1], strides = [1, 1]} : vector<256x20xf32> to vector<256x1xf32>
    %mul3A_632 = vector.broadcast %slice3A_631 : vector<256x1xf32> to vector<256x64xf32>
    %mul3A_633 = arith.mulf %get3A_610, %mul3A_632 : vector<256x64xf32>
    %add3A_634 = arith.addf %add3A_599, %mul3A_633 : vector<256x64xf32>
    %slice3A_635 = vector.extract_strided_slice %select_n3A_488 {offsets = [0, 2], sizes = [256, 1], strides = [1, 1]} : vector<256x20xf32> to vector<256x1xf32>
    %mul3A_636 = vector.broadcast %slice3A_635 : vector<256x1xf32> to vector<256x64xf32>
    %mul3A_637 = arith.mulf %get3A_610, %mul3A_636 : vector<256x64xf32>
    %add3A_638 = arith.addf %add3A_603, %mul3A_637 : vector<256x64xf32>
    %slice3A_639 = vector.extract_strided_slice %select_n3A_528 {offsets = [0, 2], sizes = [256, 1], strides = [1, 1]} : vector<256x20xf32> to vector<256x1xf32>
    %mul3A_640 = vector.broadcast %slice3A_639 : vector<256x1xf32> to vector<256x64xf32>
    %mul3A_641 = arith.mulf %get3A_610, %mul3A_640 : vector<256x64xf32>
    %add3A_642 = arith.addf %add3A_607, %mul3A_641 : vector<256x64xf32>
    %get3A_643 = arith.constant 0 : index
    %get3A_644 = arith.constant 384 : index
    %get3A_645 = vector.load %arg1[%get3A_643, %get3A_644] : memref<256x2560xf32, #tpu.memory_space<vmem>>, vector<256x64xf32>
    %slice3A_646 = vector.extract_strided_slice %select_n3A {offsets = [0, 3], sizes = [256, 1], strides = [1, 1]} : vector<256x20xf32> to vector<256x1xf32>
    %mul3A_647 = vector.broadcast %slice3A_646 : vector<256x1xf32> to vector<256x64xf32>
    %mul3A_648 = arith.mulf %get3A_645, %mul3A_647 : vector<256x64xf32>
    %add3A_649 = arith.addf %add3A_614, %mul3A_648 : vector<256x64xf32>
    %slice3A_650 = vector.extract_strided_slice %select_n3A_288 {offsets = [0, 3], sizes = [256, 1], strides = [1, 1]} : vector<256x20xf32> to vector<256x1xf32>
    %mul3A_651 = vector.broadcast %slice3A_650 : vector<256x1xf32> to vector<256x64xf32>
    %mul3A_652 = arith.mulf %get3A_645, %mul3A_651 : vector<256x64xf32>
    %add3A_653 = arith.addf %add3A_618, %mul3A_652 : vector<256x64xf32>
    %slice3A_654 = vector.extract_strided_slice %select_n3A_328 {offsets = [0, 3], sizes = [256, 1], strides = [1, 1]} : vector<256x20xf32> to vector<256x1xf32>
    %mul3A_655 = vector.broadcast %slice3A_654 : vector<256x1xf32> to vector<256x64xf32>
    %mul3A_656 = arith.mulf %get3A_645, %mul3A_655 : vector<256x64xf32>
    %add3A_657 = arith.addf %add3A_622, %mul3A_656 : vector<256x64xf32>
    %slice3A_658 = vector.extract_strided_slice %select_n3A_368 {offsets = [0, 3], sizes = [256, 1], strides = [1, 1]} : vector<256x20xf32> to vector<256x1xf32>
    %mul3A_659 = vector.broadcast %slice3A_658 : vector<256x1xf32> to vector<256x64xf32>
    %mul3A_660 = arith.mulf %get3A_645, %mul3A_659 : vector<256x64xf32>
    %add3A_661 = arith.addf %add3A_626, %mul3A_660 : vector<256x64xf32>
    %slice3A_662 = vector.extract_strided_slice %select_n3A_408 {offsets = [0, 3], sizes = [256, 1], strides = [1, 1]} : vector<256x20xf32> to vector<256x1xf32>
    %mul3A_663 = vector.broadcast %slice3A_662 : vector<256x1xf32> to vector<256x64xf32>
    %mul3A_664 = arith.mulf %get3A_645, %mul3A_663 : vector<256x64xf32>
    %add3A_665 = arith.addf %add3A_630, %mul3A_664 : vector<256x64xf32>
    %slice3A_666 = vector.extract_strided_slice %select_n3A_448 {offsets = [0, 3], sizes = [256, 1], strides = [1, 1]} : vector<256x20xf32> to vector<256x1xf32>
    %mul3A_667 = vector.broadcast %slice3A_666 : vector<256x1xf32> to vector<256x64xf32>
    %mul3A_668 = arith.mulf %get3A_645, %mul3A_667 : vector<256x64xf32>
    %add3A_669 = arith.addf %add3A_634, %mul3A_668 : vector<256x64xf32>
    %slice3A_670 = vector.extract_strided_slice %select_n3A_488 {offsets = [0, 3], sizes = [256, 1], strides = [1, 1]} : vector<256x20xf32> to vector<256x1xf32>
    %mul3A_671 = vector.broadcast %slice3A_670 : vector<256x1xf32> to vector<256x64xf32>
    %mul3A_672 = arith.mulf %get3A_645, %mul3A_671 : vector<256x64xf32>
    %add3A_673 = arith.addf %add3A_638, %mul3A_672 : vector<256x64xf32>
    %slice3A_674 = vector.extract_strided_slice %select_n3A_528 {offsets = [0, 3], sizes = [256, 1], strides = [1, 1]} : vector<256x20xf32> to vector<256x1xf32>
    %mul3A_675 = vector.broadcast %slice3A_674 : vector<256x1xf32> to vector<256x64xf32>
    %mul3A_676 = arith.mulf %get3A_645, %mul3A_675 : vector<256x64xf32>
    %add3A_677 = arith.addf %add3A_642, %mul3A_676 : vector<256x64xf32>
    %get3A_678 = arith.constant 0 : index
    %get3A_679 = arith.constant 512 : index
    %get3A_680 = vector.load %arg1[%get3A_678, %get3A_679] : memref<256x2560xf32, #tpu.memory_space<vmem>>, vector<256x64xf32>
    %slice3A_681 = vector.extract_strided_slice %select_n3A {offsets = [0, 4], sizes = [256, 1], strides = [1, 1]} : vector<256x20xf32> to vector<256x1xf32>
    %mul3A_682 = vector.broadcast %slice3A_681 : vector<256x1xf32> to vector<256x64xf32>
    %mul3A_683 = arith.mulf %get3A_680, %mul3A_682 : vector<256x64xf32>
    %add3A_684 = arith.addf %add3A_649, %mul3A_683 : vector<256x64xf32>
    %slice3A_685 = vector.extract_strided_slice %select_n3A_288 {offsets = [0, 4], sizes = [256, 1], strides = [1, 1]} : vector<256x20xf32> to vector<256x1xf32>
    %mul3A_686 = vector.broadcast %slice3A_685 : vector<256x1xf32> to vector<256x64xf32>
    %mul3A_687 = arith.mulf %get3A_680, %mul3A_686 : vector<256x64xf32>
    %add3A_688 = arith.addf %add3A_653, %mul3A_687 : vector<256x64xf32>
    %slice3A_689 = vector.extract_strided_slice %select_n3A_328 {offsets = [0, 4], sizes = [256, 1], strides = [1, 1]} : vector<256x20xf32> to vector<256x1xf32>
    %mul3A_690 = vector.broadcast %slice3A_689 : vector<256x1xf32> to vector<256x64xf32>
    %mul3A_691 = arith.mulf %get3A_680, %mul3A_690 : vector<256x64xf32>
    %add3A_692 = arith.addf %add3A_657, %mul3A_691 : vector<256x64xf32>
    %slice3A_693 = vector.extract_strided_slice %select_n3A_368 {offsets = [0, 4], sizes = [256, 1], strides = [1, 1]} : vector<256x20xf32> to vector<256x1xf32>
    %mul3A_694 = vector.broadcast %slice3A_693 : vector<256x1xf32> to vector<256x64xf32>
    %mul3A_695 = arith.mulf %get3A_680, %mul3A_694 : vector<256x64xf32>
    %add3A_696 = arith.addf %add3A_661, %mul3A_695 : vector<256x64xf32>
    %slice3A_697 = vector.extract_strided_slice %select_n3A_408 {offsets = [0, 4], sizes = [256, 1], strides = [1, 1]} : vector<256x20xf32> to vector<256x1xf32>
    %mul3A_698 = vector.broadcast %slice3A_697 : vector<256x1xf32> to vector<256x64xf32>
    %mul3A_699 = arith.mulf %get3A_680, %mul3A_698 : vector<256x64xf32>
    %add3A_700 = arith.addf %add3A_665, %mul3A_699 : vector<256x64xf32>
    %slice3A_701 = vector.extract_strided_slice %select_n3A_448 {offsets = [0, 4], sizes = [256, 1], strides = [1, 1]} : vector<256x20xf32> to vector<256x1xf32>
    %mul3A_702 = vector.broadcast %slice3A_701 : vector<256x1xf32> to vector<256x64xf32>
    %mul3A_703 = arith.mulf %get3A_680, %mul3A_702 : vector<256x64xf32>
    %add3A_704 = arith.addf %add3A_669, %mul3A_703 : vector<256x64xf32>
    %slice3A_705 = vector.extract_strided_slice %select_n3A_488 {offsets = [0, 4], sizes = [256, 1], strides = [1, 1]} : vector<256x20xf32> to vector<256x1xf32>
    %mul3A_706 = vector.broadcast %slice3A_705 : vector<256x1xf32> to vector<256x64xf32>
    %mul3A_707 = arith.mulf %get3A_680, %mul3A_706 : vector<256x64xf32>
    %add3A_708 = arith.addf %add3A_673, %mul3A_707 : vector<256x64xf32>
    %slice3A_709 = vector.extract_strided_slice %select_n3A_528 {offsets = [0, 4], sizes = [256, 1], strides = [1, 1]} : vector<256x20xf32> to vector<256x1xf32>
    %mul3A_710 = vector.broadcast %slice3A_709 : vector<256x1xf32> to vector<256x64xf32>
    %mul3A_711 = arith.mulf %get3A_680, %mul3A_710 : vector<256x64xf32>
    %add3A_712 = arith.addf %add3A_677, %mul3A_711 : vector<256x64xf32>
    %get3A_713 = arith.constant 0 : index
    %get3A_714 = arith.constant 640 : index
    %get3A_715 = vector.load %arg1[%get3A_713, %get3A_714] : memref<256x2560xf32, #tpu.memory_space<vmem>>, vector<256x64xf32>
    %slice3A_716 = vector.extract_strided_slice %select_n3A {offsets = [0, 5], sizes = [256, 1], strides = [1, 1]} : vector<256x20xf32> to vector<256x1xf32>
    %mul3A_717 = vector.broadcast %slice3A_716 : vector<256x1xf32> to vector<256x64xf32>
    %mul3A_718 = arith.mulf %get3A_715, %mul3A_717 : vector<256x64xf32>
    %add3A_719 = arith.addf %add3A_684, %mul3A_718 : vector<256x64xf32>
    %slice3A_720 = vector.extract_strided_slice %select_n3A_288 {offsets = [0, 5], sizes = [256, 1], strides = [1, 1]} : vector<256x20xf32> to vector<256x1xf32>
    %mul3A_721 = vector.broadcast %slice3A_720 : vector<256x1xf32> to vector<256x64xf32>
    %mul3A_722 = arith.mulf %get3A_715, %mul3A_721 : vector<256x64xf32>
    %add3A_723 = arith.addf %add3A_688, %mul3A_722 : vector<256x64xf32>
    %slice3A_724 = vector.extract_strided_slice %select_n3A_328 {offsets = [0, 5], sizes = [256, 1], strides = [1, 1]} : vector<256x20xf32> to vector<256x1xf32>
    %mul3A_725 = vector.broadcast %slice3A_724 : vector<256x1xf32> to vector<256x64xf32>
    %mul3A_726 = arith.mulf %get3A_715, %mul3A_725 : vector<256x64xf32>
    %add3A_727 = arith.addf %add3A_692, %mul3A_726 : vector<256x64xf32>
    %slice3A_728 = vector.extract_strided_slice %select_n3A_368 {offsets = [0, 5], sizes = [256, 1], strides = [1, 1]} : vector<256x20xf32> to vector<256x1xf32>
    %mul3A_729 = vector.broadcast %slice3A_728 : vector<256x1xf32> to vector<256x64xf32>
    %mul3A_730 = arith.mulf %get3A_715, %mul3A_729 : vector<256x64xf32>
    %add3A_731 = arith.addf %add3A_696, %mul3A_730 : vector<256x64xf32>
    %slice3A_732 = vector.extract_strided_slice %select_n3A_408 {offsets = [0, 5], sizes = [256, 1], strides = [1, 1]} : vector<256x20xf32> to vector<256x1xf32>
    %mul3A_733 = vector.broadcast %slice3A_732 : vector<256x1xf32> to vector<256x64xf32>
    %mul3A_734 = arith.mulf %get3A_715, %mul3A_733 : vector<256x64xf32>
    %add3A_735 = arith.addf %add3A_700, %mul3A_734 : vector<256x64xf32>
    %slice3A_736 = vector.extract_strided_slice %select_n3A_448 {offsets = [0, 5], sizes = [256, 1], strides = [1, 1]} : vector<256x20xf32> to vector<256x1xf32>
    %mul3A_737 = vector.broadcast %slice3A_736 : vector<256x1xf32> to vector<256x64xf32>
    %mul3A_738 = arith.mulf %get3A_715, %mul3A_737 : vector<256x64xf32>
    %add3A_739 = arith.addf %add3A_704, %mul3A_738 : vector<256x64xf32>
    %slice3A_740 = vector.extract_strided_slice %select_n3A_488 {offsets = [0, 5], sizes = [256, 1], strides = [1, 1]} : vector<256x20xf32> to vector<256x1xf32>
    %mul3A_741 = vector.broadcast %slice3A_740 : vector<256x1xf32> to vector<256x64xf32>
    %mul3A_742 = arith.mulf %get3A_715, %mul3A_741 : vector<256x64xf32>
    %add3A_743 = arith.addf %add3A_708, %mul3A_742 : vector<256x64xf32>
    %slice3A_744 = vector.extract_strided_slice %select_n3A_528 {offsets = [0, 5], sizes = [256, 1], strides = [1, 1]} : vector<256x20xf32> to vector<256x1xf32>
    %mul3A_745 = vector.broadcast %slice3A_744 : vector<256x1xf32> to vector<256x64xf32>
    %mul3A_746 = arith.mulf %get3A_715, %mul3A_745 : vector<256x64xf32>
    %add3A_747 = arith.addf %add3A_712, %mul3A_746 : vector<256x64xf32>
    %get3A_748 = arith.constant 0 : index
    %get3A_749 = arith.constant 768 : index
    %get3A_750 = vector.load %arg1[%get3A_748, %get3A_749] : memref<256x2560xf32, #tpu.memory_space<vmem>>, vector<256x64xf32>
    %slice3A_751 = vector.extract_strided_slice %select_n3A {offsets = [0, 6], sizes = [256, 1], strides = [1, 1]} : vector<256x20xf32> to vector<256x1xf32>
    %mul3A_752 = vector.broadcast %slice3A_751 : vector<256x1xf32> to vector<256x64xf32>
    %mul3A_753 = arith.mulf %get3A_750, %mul3A_752 : vector<256x64xf32>
    %add3A_754 = arith.addf %add3A_719, %mul3A_753 : vector<256x64xf32>
    %slice3A_755 = vector.extract_strided_slice %select_n3A_288 {offsets = [0, 6], sizes = [256, 1], strides = [1, 1]} : vector<256x20xf32> to vector<256x1xf32>
    %mul3A_756 = vector.broadcast %slice3A_755 : vector<256x1xf32> to vector<256x64xf32>
    %mul3A_757 = arith.mulf %get3A_750, %mul3A_756 : vector<256x64xf32>
    %add3A_758 = arith.addf %add3A_723, %mul3A_757 : vector<256x64xf32>
    %slice3A_759 = vector.extract_strided_slice %select_n3A_328 {offsets = [0, 6], sizes = [256, 1], strides = [1, 1]} : vector<256x20xf32> to vector<256x1xf32>
    %mul3A_760 = vector.broadcast %slice3A_759 : vector<256x1xf32> to vector<256x64xf32>
    %mul3A_761 = arith.mulf %get3A_750, %mul3A_760 : vector<256x64xf32>
    %add3A_762 = arith.addf %add3A_727, %mul3A_761 : vector<256x64xf32>
    %slice3A_763 = vector.extract_strided_slice %select_n3A_368 {offsets = [0, 6], sizes = [256, 1], strides = [1, 1]} : vector<256x20xf32> to vector<256x1xf32>
    %mul3A_764 = vector.broadcast %slice3A_763 : vector<256x1xf32> to vector<256x64xf32>
    %mul3A_765 = arith.mulf %get3A_750, %mul3A_764 : vector<256x64xf32>
    %add3A_766 = arith.addf %add3A_731, %mul3A_765 : vector<256x64xf32>
    %slice3A_767 = vector.extract_strided_slice %select_n3A_408 {offsets = [0, 6], sizes = [256, 1], strides = [1, 1]} : vector<256x20xf32> to vector<256x1xf32>
    %mul3A_768 = vector.broadcast %slice3A_767 : vector<256x1xf32> to vector<256x64xf32>
    %mul3A_769 = arith.mulf %get3A_750, %mul3A_768 : vector<256x64xf32>
    %add3A_770 = arith.addf %add3A_735, %mul3A_769 : vector<256x64xf32>
    %slice3A_771 = vector.extract_strided_slice %select_n3A_448 {offsets = [0, 6], sizes = [256, 1], strides = [1, 1]} : vector<256x20xf32> to vector<256x1xf32>
    %mul3A_772 = vector.broadcast %slice3A_771 : vector<256x1xf32> to vector<256x64xf32>
    %mul3A_773 = arith.mulf %get3A_750, %mul3A_772 : vector<256x64xf32>
    %add3A_774 = arith.addf %add3A_739, %mul3A_773 : vector<256x64xf32>
    %slice3A_775 = vector.extract_strided_slice %select_n3A_488 {offsets = [0, 6], sizes = [256, 1], strides = [1, 1]} : vector<256x20xf32> to vector<256x1xf32>
    %mul3A_776 = vector.broadcast %slice3A_775 : vector<256x1xf32> to vector<256x64xf32>
    %mul3A_777 = arith.mulf %get3A_750, %mul3A_776 : vector<256x64xf32>
    %add3A_778 = arith.addf %add3A_743, %mul3A_777 : vector<256x64xf32>
    %slice3A_779 = vector.extract_strided_slice %select_n3A_528 {offsets = [0, 6], sizes = [256, 1], strides = [1, 1]} : vector<256x20xf32> to vector<256x1xf32>
    %mul3A_780 = vector.broadcast %slice3A_779 : vector<256x1xf32> to vector<256x64xf32>
    %mul3A_781 = arith.mulf %get3A_750, %mul3A_780 : vector<256x64xf32>
    %add3A_782 = arith.addf %add3A_747, %mul3A_781 : vector<256x64xf32>
    %get3A_783 = arith.constant 0 : index
    %get3A_784 = arith.constant 896 : index
    %get3A_785 = vector.load %arg1[%get3A_783, %get3A_784] : memref<256x2560xf32, #tpu.memory_space<vmem>>, vector<256x64xf32>
    %slice3A_786 = vector.extract_strided_slice %select_n3A {offsets = [0, 7], sizes = [256, 1], strides = [1, 1]} : vector<256x20xf32> to vector<256x1xf32>
    %mul3A_787 = vector.broadcast %slice3A_786 : vector<256x1xf32> to vector<256x64xf32>
    %mul3A_788 = arith.mulf %get3A_785, %mul3A_787 : vector<256x64xf32>
    %add3A_789 = arith.addf %add3A_754, %mul3A_788 : vector<256x64xf32>
    %slice3A_790 = vector.extract_strided_slice %select_n3A_288 {offsets = [0, 7], sizes = [256, 1], strides = [1, 1]} : vector<256x20xf32> to vector<256x1xf32>
    %mul3A_791 = vector.broadcast %slice3A_790 : vector<256x1xf32> to vector<256x64xf32>
    %mul3A_792 = arith.mulf %get3A_785, %mul3A_791 : vector<256x64xf32>
    %add3A_793 = arith.addf %add3A_758, %mul3A_792 : vector<256x64xf32>
    %slice3A_794 = vector.extract_strided_slice %select_n3A_328 {offsets = [0, 7], sizes = [256, 1], strides = [1, 1]} : vector<256x20xf32> to vector<256x1xf32>
    %mul3A_795 = vector.broadcast %slice3A_794 : vector<256x1xf32> to vector<256x64xf32>
    %mul3A_796 = arith.mulf %get3A_785, %mul3A_795 : vector<256x64xf32>
    %add3A_797 = arith.addf %add3A_762, %mul3A_796 : vector<256x64xf32>
    %slice3A_798 = vector.extract_strided_slice %select_n3A_368 {offsets = [0, 7], sizes = [256, 1], strides = [1, 1]} : vector<256x20xf32> to vector<256x1xf32>
    %mul3A_799 = vector.broadcast %slice3A_798 : vector<256x1xf32> to vector<256x64xf32>
    %mul3A_800 = arith.mulf %get3A_785, %mul3A_799 : vector<256x64xf32>
    %add3A_801 = arith.addf %add3A_766, %mul3A_800 : vector<256x64xf32>
    %slice3A_802 = vector.extract_strided_slice %select_n3A_408 {offsets = [0, 7], sizes = [256, 1], strides = [1, 1]} : vector<256x20xf32> to vector<256x1xf32>
    %mul3A_803 = vector.broadcast %slice3A_802 : vector<256x1xf32> to vector<256x64xf32>
    %mul3A_804 = arith.mulf %get3A_785, %mul3A_803 : vector<256x64xf32>
    %add3A_805 = arith.addf %add3A_770, %mul3A_804 : vector<256x64xf32>
    %slice3A_806 = vector.extract_strided_slice %select_n3A_448 {offsets = [0, 7], sizes = [256, 1], strides = [1, 1]} : vector<256x20xf32> to vector<256x1xf32>
    %mul3A_807 = vector.broadcast %slice3A_806 : vector<256x1xf32> to vector<256x64xf32>
    %mul3A_808 = arith.mulf %get3A_785, %mul3A_807 : vector<256x64xf32>
    %add3A_809 = arith.addf %add3A_774, %mul3A_808 : vector<256x64xf32>
    %slice3A_810 = vector.extract_strided_slice %select_n3A_488 {offsets = [0, 7], sizes = [256, 1], strides = [1, 1]} : vector<256x20xf32> to vector<256x1xf32>
    %mul3A_811 = vector.broadcast %slice3A_810 : vector<256x1xf32> to vector<256x64xf32>
    %mul3A_812 = arith.mulf %get3A_785, %mul3A_811 : vector<256x64xf32>
    %add3A_813 = arith.addf %add3A_778, %mul3A_812 : vector<256x64xf32>
    %slice3A_814 = vector.extract_strided_slice %select_n3A_528 {offsets = [0, 7], sizes = [256, 1], strides = [1, 1]} : vector<256x20xf32> to vector<256x1xf32>
    %mul3A_815 = vector.broadcast %slice3A_814 : vector<256x1xf32> to vector<256x64xf32>
    %mul3A_816 = arith.mulf %get3A_785, %mul3A_815 : vector<256x64xf32>
    %add3A_817 = arith.addf %add3A_782, %mul3A_816 : vector<256x64xf32>
    %get3A_818 = arith.constant 0 : index
    %get3A_819 = arith.constant 1024 : index
    %get3A_820 = vector.load %arg1[%get3A_818, %get3A_819] : memref<256x2560xf32, #tpu.memory_space<vmem>>, vector<256x64xf32>
    %slice3A_821 = vector.extract_strided_slice %select_n3A {offsets = [0, 8], sizes = [256, 1], strides = [1, 1]} : vector<256x20xf32> to vector<256x1xf32>
    %mul3A_822 = vector.broadcast %slice3A_821 : vector<256x1xf32> to vector<256x64xf32>
    %mul3A_823 = arith.mulf %get3A_820, %mul3A_822 : vector<256x64xf32>
    %add3A_824 = arith.addf %add3A_789, %mul3A_823 : vector<256x64xf32>
    %slice3A_825 = vector.extract_strided_slice %select_n3A_288 {offsets = [0, 8], sizes = [256, 1], strides = [1, 1]} : vector<256x20xf32> to vector<256x1xf32>
    %mul3A_826 = vector.broadcast %slice3A_825 : vector<256x1xf32> to vector<256x64xf32>
    %mul3A_827 = arith.mulf %get3A_820, %mul3A_826 : vector<256x64xf32>
    %add3A_828 = arith.addf %add3A_793, %mul3A_827 : vector<256x64xf32>
    %slice3A_829 = vector.extract_strided_slice %select_n3A_328 {offsets = [0, 8], sizes = [256, 1], strides = [1, 1]} : vector<256x20xf32> to vector<256x1xf32>
    %mul3A_830 = vector.broadcast %slice3A_829 : vector<256x1xf32> to vector<256x64xf32>
    %mul3A_831 = arith.mulf %get3A_820, %mul3A_830 : vector<256x64xf32>
    %add3A_832 = arith.addf %add3A_797, %mul3A_831 : vector<256x64xf32>
    %slice3A_833 = vector.extract_strided_slice %select_n3A_368 {offsets = [0, 8], sizes = [256, 1], strides = [1, 1]} : vector<256x20xf32> to vector<256x1xf32>
    %mul3A_834 = vector.broadcast %slice3A_833 : vector<256x1xf32> to vector<256x64xf32>
    %mul3A_835 = arith.mulf %get3A_820, %mul3A_834 : vector<256x64xf32>
    %add3A_836 = arith.addf %add3A_801, %mul3A_835 : vector<256x64xf32>
    %slice3A_837 = vector.extract_strided_slice %select_n3A_408 {offsets = [0, 8], sizes = [256, 1], strides = [1, 1]} : vector<256x20xf32> to vector<256x1xf32>
    %mul3A_838 = vector.broadcast %slice3A_837 : vector<256x1xf32> to vector<256x64xf32>
    %mul3A_839 = arith.mulf %get3A_820, %mul3A_838 : vector<256x64xf32>
    %add3A_840 = arith.addf %add3A_805, %mul3A_839 : vector<256x64xf32>
    %slice3A_841 = vector.extract_strided_slice %select_n3A_448 {offsets = [0, 8], sizes = [256, 1], strides = [1, 1]} : vector<256x20xf32> to vector<256x1xf32>
    %mul3A_842 = vector.broadcast %slice3A_841 : vector<256x1xf32> to vector<256x64xf32>
    %mul3A_843 = arith.mulf %get3A_820, %mul3A_842 : vector<256x64xf32>
    %add3A_844 = arith.addf %add3A_809, %mul3A_843 : vector<256x64xf32>
    %slice3A_845 = vector.extract_strided_slice %select_n3A_488 {offsets = [0, 8], sizes = [256, 1], strides = [1, 1]} : vector<256x20xf32> to vector<256x1xf32>
    %mul3A_846 = vector.broadcast %slice3A_845 : vector<256x1xf32> to vector<256x64xf32>
    %mul3A_847 = arith.mulf %get3A_820, %mul3A_846 : vector<256x64xf32>
    %add3A_848 = arith.addf %add3A_813, %mul3A_847 : vector<256x64xf32>
    %slice3A_849 = vector.extract_strided_slice %select_n3A_528 {offsets = [0, 8], sizes = [256, 1], strides = [1, 1]} : vector<256x20xf32> to vector<256x1xf32>
    %mul3A_850 = vector.broadcast %slice3A_849 : vector<256x1xf32> to vector<256x64xf32>
    %mul3A_851 = arith.mulf %get3A_820, %mul3A_850 : vector<256x64xf32>
    %add3A_852 = arith.addf %add3A_817, %mul3A_851 : vector<256x64xf32>
    %get3A_853 = arith.constant 0 : index
    %get3A_854 = arith.constant 1152 : index
    %get3A_855 = vector.load %arg1[%get3A_853, %get3A_854] : memref<256x2560xf32, #tpu.memory_space<vmem>>, vector<256x64xf32>
    %slice3A_856 = vector.extract_strided_slice %select_n3A {offsets = [0, 9], sizes = [256, 1], strides = [1, 1]} : vector<256x20xf32> to vector<256x1xf32>
    %mul3A_857 = vector.broadcast %slice3A_856 : vector<256x1xf32> to vector<256x64xf32>
    %mul3A_858 = arith.mulf %get3A_855, %mul3A_857 : vector<256x64xf32>
    %add3A_859 = arith.addf %add3A_824, %mul3A_858 : vector<256x64xf32>
    %slice3A_860 = vector.extract_strided_slice %select_n3A_288 {offsets = [0, 9], sizes = [256, 1], strides = [1, 1]} : vector<256x20xf32> to vector<256x1xf32>
    %mul3A_861 = vector.broadcast %slice3A_860 : vector<256x1xf32> to vector<256x64xf32>
    %mul3A_862 = arith.mulf %get3A_855, %mul3A_861 : vector<256x64xf32>
    %add3A_863 = arith.addf %add3A_828, %mul3A_862 : vector<256x64xf32>
    %slice3A_864 = vector.extract_strided_slice %select_n3A_328 {offsets = [0, 9], sizes = [256, 1], strides = [1, 1]} : vector<256x20xf32> to vector<256x1xf32>
    %mul3A_865 = vector.broadcast %slice3A_864 : vector<256x1xf32> to vector<256x64xf32>
    %mul3A_866 = arith.mulf %get3A_855, %mul3A_865 : vector<256x64xf32>
    %add3A_867 = arith.addf %add3A_832, %mul3A_866 : vector<256x64xf32>
    %slice3A_868 = vector.extract_strided_slice %select_n3A_368 {offsets = [0, 9], sizes = [256, 1], strides = [1, 1]} : vector<256x20xf32> to vector<256x1xf32>
    %mul3A_869 = vector.broadcast %slice3A_868 : vector<256x1xf32> to vector<256x64xf32>
    %mul3A_870 = arith.mulf %get3A_855, %mul3A_869 : vector<256x64xf32>
    %add3A_871 = arith.addf %add3A_836, %mul3A_870 : vector<256x64xf32>
    %slice3A_872 = vector.extract_strided_slice %select_n3A_408 {offsets = [0, 9], sizes = [256, 1], strides = [1, 1]} : vector<256x20xf32> to vector<256x1xf32>
    %mul3A_873 = vector.broadcast %slice3A_872 : vector<256x1xf32> to vector<256x64xf32>
    %mul3A_874 = arith.mulf %get3A_855, %mul3A_873 : vector<256x64xf32>
    %add3A_875 = arith.addf %add3A_840, %mul3A_874 : vector<256x64xf32>
    %slice3A_876 = vector.extract_strided_slice %select_n3A_448 {offsets = [0, 9], sizes = [256, 1], strides = [1, 1]} : vector<256x20xf32> to vector<256x1xf32>
    %mul3A_877 = vector.broadcast %slice3A_876 : vector<256x1xf32> to vector<256x64xf32>
    %mul3A_878 = arith.mulf %get3A_855, %mul3A_877 : vector<256x64xf32>
    %add3A_879 = arith.addf %add3A_844, %mul3A_878 : vector<256x64xf32>
    %slice3A_880 = vector.extract_strided_slice %select_n3A_488 {offsets = [0, 9], sizes = [256, 1], strides = [1, 1]} : vector<256x20xf32> to vector<256x1xf32>
    %mul3A_881 = vector.broadcast %slice3A_880 : vector<256x1xf32> to vector<256x64xf32>
    %mul3A_882 = arith.mulf %get3A_855, %mul3A_881 : vector<256x64xf32>
    %add3A_883 = arith.addf %add3A_848, %mul3A_882 : vector<256x64xf32>
    %slice3A_884 = vector.extract_strided_slice %select_n3A_528 {offsets = [0, 9], sizes = [256, 1], strides = [1, 1]} : vector<256x20xf32> to vector<256x1xf32>
    %mul3A_885 = vector.broadcast %slice3A_884 : vector<256x1xf32> to vector<256x64xf32>
    %mul3A_886 = arith.mulf %get3A_855, %mul3A_885 : vector<256x64xf32>
    %add3A_887 = arith.addf %add3A_852, %mul3A_886 : vector<256x64xf32>
    %get3A_888 = arith.constant 0 : index
    %get3A_889 = arith.constant 1280 : index
    %get3A_890 = vector.load %arg1[%get3A_888, %get3A_889] : memref<256x2560xf32, #tpu.memory_space<vmem>>, vector<256x64xf32>
    %slice3A_891 = vector.extract_strided_slice %select_n3A {offsets = [0, 10], sizes = [256, 1], strides = [1, 1]} : vector<256x20xf32> to vector<256x1xf32>
    %mul3A_892 = vector.broadcast %slice3A_891 : vector<256x1xf32> to vector<256x64xf32>
    %mul3A_893 = arith.mulf %get3A_890, %mul3A_892 : vector<256x64xf32>
    %add3A_894 = arith.addf %add3A_859, %mul3A_893 : vector<256x64xf32>
    %slice3A_895 = vector.extract_strided_slice %select_n3A_288 {offsets = [0, 10], sizes = [256, 1], strides = [1, 1]} : vector<256x20xf32> to vector<256x1xf32>
    %mul3A_896 = vector.broadcast %slice3A_895 : vector<256x1xf32> to vector<256x64xf32>
    %mul3A_897 = arith.mulf %get3A_890, %mul3A_896 : vector<256x64xf32>
    %add3A_898 = arith.addf %add3A_863, %mul3A_897 : vector<256x64xf32>
    %slice3A_899 = vector.extract_strided_slice %select_n3A_328 {offsets = [0, 10], sizes = [256, 1], strides = [1, 1]} : vector<256x20xf32> to vector<256x1xf32>
    %mul3A_900 = vector.broadcast %slice3A_899 : vector<256x1xf32> to vector<256x64xf32>
    %mul3A_901 = arith.mulf %get3A_890, %mul3A_900 : vector<256x64xf32>
    %add3A_902 = arith.addf %add3A_867, %mul3A_901 : vector<256x64xf32>
    %slice3A_903 = vector.extract_strided_slice %select_n3A_368 {offsets = [0, 10], sizes = [256, 1], strides = [1, 1]} : vector<256x20xf32> to vector<256x1xf32>
    %mul3A_904 = vector.broadcast %slice3A_903 : vector<256x1xf32> to vector<256x64xf32>
    %mul3A_905 = arith.mulf %get3A_890, %mul3A_904 : vector<256x64xf32>
    %add3A_906 = arith.addf %add3A_871, %mul3A_905 : vector<256x64xf32>
    %slice3A_907 = vector.extract_strided_slice %select_n3A_408 {offsets = [0, 10], sizes = [256, 1], strides = [1, 1]} : vector<256x20xf32> to vector<256x1xf32>
    %mul3A_908 = vector.broadcast %slice3A_907 : vector<256x1xf32> to vector<256x64xf32>
    %mul3A_909 = arith.mulf %get3A_890, %mul3A_908 : vector<256x64xf32>
    %add3A_910 = arith.addf %add3A_875, %mul3A_909 : vector<256x64xf32>
    %slice3A_911 = vector.extract_strided_slice %select_n3A_448 {offsets = [0, 10], sizes = [256, 1], strides = [1, 1]} : vector<256x20xf32> to vector<256x1xf32>
    %mul3A_912 = vector.broadcast %slice3A_911 : vector<256x1xf32> to vector<256x64xf32>
    %mul3A_913 = arith.mulf %get3A_890, %mul3A_912 : vector<256x64xf32>
    %add3A_914 = arith.addf %add3A_879, %mul3A_913 : vector<256x64xf32>
    %slice3A_915 = vector.extract_strided_slice %select_n3A_488 {offsets = [0, 10], sizes = [256, 1], strides = [1, 1]} : vector<256x20xf32> to vector<256x1xf32>
    %mul3A_916 = vector.broadcast %slice3A_915 : vector<256x1xf32> to vector<256x64xf32>
    %mul3A_917 = arith.mulf %get3A_890, %mul3A_916 : vector<256x64xf32>
    %add3A_918 = arith.addf %add3A_883, %mul3A_917 : vector<256x64xf32>
    %slice3A_919 = vector.extract_strided_slice %select_n3A_528 {offsets = [0, 10], sizes = [256, 1], strides = [1, 1]} : vector<256x20xf32> to vector<256x1xf32>
    %mul3A_920 = vector.broadcast %slice3A_919 : vector<256x1xf32> to vector<256x64xf32>
    %mul3A_921 = arith.mulf %get3A_890, %mul3A_920 : vector<256x64xf32>
    %add3A_922 = arith.addf %add3A_887, %mul3A_921 : vector<256x64xf32>
    %get3A_923 = arith.constant 0 : index
    %get3A_924 = arith.constant 1408 : index
    %get3A_925 = vector.load %arg1[%get3A_923, %get3A_924] : memref<256x2560xf32, #tpu.memory_space<vmem>>, vector<256x64xf32>
    %slice3A_926 = vector.extract_strided_slice %select_n3A {offsets = [0, 11], sizes = [256, 1], strides = [1, 1]} : vector<256x20xf32> to vector<256x1xf32>
    %mul3A_927 = vector.broadcast %slice3A_926 : vector<256x1xf32> to vector<256x64xf32>
    %mul3A_928 = arith.mulf %get3A_925, %mul3A_927 : vector<256x64xf32>
    %add3A_929 = arith.addf %add3A_894, %mul3A_928 : vector<256x64xf32>
    %slice3A_930 = vector.extract_strided_slice %select_n3A_288 {offsets = [0, 11], sizes = [256, 1], strides = [1, 1]} : vector<256x20xf32> to vector<256x1xf32>
    %mul3A_931 = vector.broadcast %slice3A_930 : vector<256x1xf32> to vector<256x64xf32>
    %mul3A_932 = arith.mulf %get3A_925, %mul3A_931 : vector<256x64xf32>
    %add3A_933 = arith.addf %add3A_898, %mul3A_932 : vector<256x64xf32>
    %slice3A_934 = vector.extract_strided_slice %select_n3A_328 {offsets = [0, 11], sizes = [256, 1], strides = [1, 1]} : vector<256x20xf32> to vector<256x1xf32>
    %mul3A_935 = vector.broadcast %slice3A_934 : vector<256x1xf32> to vector<256x64xf32>
    %mul3A_936 = arith.mulf %get3A_925, %mul3A_935 : vector<256x64xf32>
    %add3A_937 = arith.addf %add3A_902, %mul3A_936 : vector<256x64xf32>
    %slice3A_938 = vector.extract_strided_slice %select_n3A_368 {offsets = [0, 11], sizes = [256, 1], strides = [1, 1]} : vector<256x20xf32> to vector<256x1xf32>
    %mul3A_939 = vector.broadcast %slice3A_938 : vector<256x1xf32> to vector<256x64xf32>
    %mul3A_940 = arith.mulf %get3A_925, %mul3A_939 : vector<256x64xf32>
    %add3A_941 = arith.addf %add3A_906, %mul3A_940 : vector<256x64xf32>
    %slice3A_942 = vector.extract_strided_slice %select_n3A_408 {offsets = [0, 11], sizes = [256, 1], strides = [1, 1]} : vector<256x20xf32> to vector<256x1xf32>
    %mul3A_943 = vector.broadcast %slice3A_942 : vector<256x1xf32> to vector<256x64xf32>
    %mul3A_944 = arith.mulf %get3A_925, %mul3A_943 : vector<256x64xf32>
    %add3A_945 = arith.addf %add3A_910, %mul3A_944 : vector<256x64xf32>
    %slice3A_946 = vector.extract_strided_slice %select_n3A_448 {offsets = [0, 11], sizes = [256, 1], strides = [1, 1]} : vector<256x20xf32> to vector<256x1xf32>
    %mul3A_947 = vector.broadcast %slice3A_946 : vector<256x1xf32> to vector<256x64xf32>
    %mul3A_948 = arith.mulf %get3A_925, %mul3A_947 : vector<256x64xf32>
    %add3A_949 = arith.addf %add3A_914, %mul3A_948 : vector<256x64xf32>
    %slice3A_950 = vector.extract_strided_slice %select_n3A_488 {offsets = [0, 11], sizes = [256, 1], strides = [1, 1]} : vector<256x20xf32> to vector<256x1xf32>
    %mul3A_951 = vector.broadcast %slice3A_950 : vector<256x1xf32> to vector<256x64xf32>
    %mul3A_952 = arith.mulf %get3A_925, %mul3A_951 : vector<256x64xf32>
    %add3A_953 = arith.addf %add3A_918, %mul3A_952 : vector<256x64xf32>
    %slice3A_954 = vector.extract_strided_slice %select_n3A_528 {offsets = [0, 11], sizes = [256, 1], strides = [1, 1]} : vector<256x20xf32> to vector<256x1xf32>
    %mul3A_955 = vector.broadcast %slice3A_954 : vector<256x1xf32> to vector<256x64xf32>
    %mul3A_956 = arith.mulf %get3A_925, %mul3A_955 : vector<256x64xf32>
    %add3A_957 = arith.addf %add3A_922, %mul3A_956 : vector<256x64xf32>
    %get3A_958 = arith.constant 0 : index
    %get3A_959 = arith.constant 1536 : index
    %get3A_960 = vector.load %arg1[%get3A_958, %get3A_959] : memref<256x2560xf32, #tpu.memory_space<vmem>>, vector<256x64xf32>
    %slice3A_961 = vector.extract_strided_slice %select_n3A {offsets = [0, 12], sizes = [256, 1], strides = [1, 1]} : vector<256x20xf32> to vector<256x1xf32>
    %mul3A_962 = vector.broadcast %slice3A_961 : vector<256x1xf32> to vector<256x64xf32>
    %mul3A_963 = arith.mulf %get3A_960, %mul3A_962 : vector<256x64xf32>
    %add3A_964 = arith.addf %add3A_929, %mul3A_963 : vector<256x64xf32>
    %slice3A_965 = vector.extract_strided_slice %select_n3A_288 {offsets = [0, 12], sizes = [256, 1], strides = [1, 1]} : vector<256x20xf32> to vector<256x1xf32>
    %mul3A_966 = vector.broadcast %slice3A_965 : vector<256x1xf32> to vector<256x64xf32>
    %mul3A_967 = arith.mulf %get3A_960, %mul3A_966 : vector<256x64xf32>
    %add3A_968 = arith.addf %add3A_933, %mul3A_967 : vector<256x64xf32>
    %slice3A_969 = vector.extract_strided_slice %select_n3A_328 {offsets = [0, 12], sizes = [256, 1], strides = [1, 1]} : vector<256x20xf32> to vector<256x1xf32>
    %mul3A_970 = vector.broadcast %slice3A_969 : vector<256x1xf32> to vector<256x64xf32>
    %mul3A_971 = arith.mulf %get3A_960, %mul3A_970 : vector<256x64xf32>
    %add3A_972 = arith.addf %add3A_937, %mul3A_971 : vector<256x64xf32>
    %slice3A_973 = vector.extract_strided_slice %select_n3A_368 {offsets = [0, 12], sizes = [256, 1], strides = [1, 1]} : vector<256x20xf32> to vector<256x1xf32>
    %mul3A_974 = vector.broadcast %slice3A_973 : vector<256x1xf32> to vector<256x64xf32>
    %mul3A_975 = arith.mulf %get3A_960, %mul3A_974 : vector<256x64xf32>
    %add3A_976 = arith.addf %add3A_941, %mul3A_975 : vector<256x64xf32>
    %slice3A_977 = vector.extract_strided_slice %select_n3A_408 {offsets = [0, 12], sizes = [256, 1], strides = [1, 1]} : vector<256x20xf32> to vector<256x1xf32>
    %mul3A_978 = vector.broadcast %slice3A_977 : vector<256x1xf32> to vector<256x64xf32>
    %mul3A_979 = arith.mulf %get3A_960, %mul3A_978 : vector<256x64xf32>
    %add3A_980 = arith.addf %add3A_945, %mul3A_979 : vector<256x64xf32>
    %slice3A_981 = vector.extract_strided_slice %select_n3A_448 {offsets = [0, 12], sizes = [256, 1], strides = [1, 1]} : vector<256x20xf32> to vector<256x1xf32>
    %mul3A_982 = vector.broadcast %slice3A_981 : vector<256x1xf32> to vector<256x64xf32>
    %mul3A_983 = arith.mulf %get3A_960, %mul3A_982 : vector<256x64xf32>
    %add3A_984 = arith.addf %add3A_949, %mul3A_983 : vector<256x64xf32>
    %slice3A_985 = vector.extract_strided_slice %select_n3A_488 {offsets = [0, 12], sizes = [256, 1], strides = [1, 1]} : vector<256x20xf32> to vector<256x1xf32>
    %mul3A_986 = vector.broadcast %slice3A_985 : vector<256x1xf32> to vector<256x64xf32>
    %mul3A_987 = arith.mulf %get3A_960, %mul3A_986 : vector<256x64xf32>
    %add3A_988 = arith.addf %add3A_953, %mul3A_987 : vector<256x64xf32>
    %slice3A_989 = vector.extract_strided_slice %select_n3A_528 {offsets = [0, 12], sizes = [256, 1], strides = [1, 1]} : vector<256x20xf32> to vector<256x1xf32>
    %mul3A_990 = vector.broadcast %slice3A_989 : vector<256x1xf32> to vector<256x64xf32>
    %mul3A_991 = arith.mulf %get3A_960, %mul3A_990 : vector<256x64xf32>
    %add3A_992 = arith.addf %add3A_957, %mul3A_991 : vector<256x64xf32>
    %get3A_993 = arith.constant 0 : index
    %get3A_994 = arith.constant 1664 : index
    %get3A_995 = vector.load %arg1[%get3A_993, %get3A_994] : memref<256x2560xf32, #tpu.memory_space<vmem>>, vector<256x64xf32>
    %slice3A_996 = vector.extract_strided_slice %select_n3A {offsets = [0, 13], sizes = [256, 1], strides = [1, 1]} : vector<256x20xf32> to vector<256x1xf32>
    %mul3A_997 = vector.broadcast %slice3A_996 : vector<256x1xf32> to vector<256x64xf32>
    %mul3A_998 = arith.mulf %get3A_995, %mul3A_997 : vector<256x64xf32>
    %add3A_999 = arith.addf %add3A_964, %mul3A_998 : vector<256x64xf32>
    %slice3A_1000 = vector.extract_strided_slice %select_n3A_288 {offsets = [0, 13], sizes = [256, 1], strides = [1, 1]} : vector<256x20xf32> to vector<256x1xf32>
    %mul3A_1001 = vector.broadcast %slice3A_1000 : vector<256x1xf32> to vector<256x64xf32>
    %mul3A_1002 = arith.mulf %get3A_995, %mul3A_1001 : vector<256x64xf32>
    %add3A_1003 = arith.addf %add3A_968, %mul3A_1002 : vector<256x64xf32>
    %slice3A_1004 = vector.extract_strided_slice %select_n3A_328 {offsets = [0, 13], sizes = [256, 1], strides = [1, 1]} : vector<256x20xf32> to vector<256x1xf32>
    %mul3A_1005 = vector.broadcast %slice3A_1004 : vector<256x1xf32> to vector<256x64xf32>
    %mul3A_1006 = arith.mulf %get3A_995, %mul3A_1005 : vector<256x64xf32>
    %add3A_1007 = arith.addf %add3A_972, %mul3A_1006 : vector<256x64xf32>
    %slice3A_1008 = vector.extract_strided_slice %select_n3A_368 {offsets = [0, 13], sizes = [256, 1], strides = [1, 1]} : vector<256x20xf32> to vector<256x1xf32>
    %mul3A_1009 = vector.broadcast %slice3A_1008 : vector<256x1xf32> to vector<256x64xf32>
    %mul3A_1010 = arith.mulf %get3A_995, %mul3A_1009 : vector<256x64xf32>
    %add3A_1011 = arith.addf %add3A_976, %mul3A_1010 : vector<256x64xf32>
    %slice3A_1012 = vector.extract_strided_slice %select_n3A_408 {offsets = [0, 13], sizes = [256, 1], strides = [1, 1]} : vector<256x20xf32> to vector<256x1xf32>
    %mul3A_1013 = vector.broadcast %slice3A_1012 : vector<256x1xf32> to vector<256x64xf32>
    %mul3A_1014 = arith.mulf %get3A_995, %mul3A_1013 : vector<256x64xf32>
    %add3A_1015 = arith.addf %add3A_980, %mul3A_1014 : vector<256x64xf32>
    %slice3A_1016 = vector.extract_strided_slice %select_n3A_448 {offsets = [0, 13], sizes = [256, 1], strides = [1, 1]} : vector<256x20xf32> to vector<256x1xf32>
    %mul3A_1017 = vector.broadcast %slice3A_1016 : vector<256x1xf32> to vector<256x64xf32>
    %mul3A_1018 = arith.mulf %get3A_995, %mul3A_1017 : vector<256x64xf32>
    %add3A_1019 = arith.addf %add3A_984, %mul3A_1018 : vector<256x64xf32>
    %slice3A_1020 = vector.extract_strided_slice %select_n3A_488 {offsets = [0, 13], sizes = [256, 1], strides = [1, 1]} : vector<256x20xf32> to vector<256x1xf32>
    %mul3A_1021 = vector.broadcast %slice3A_1020 : vector<256x1xf32> to vector<256x64xf32>
    %mul3A_1022 = arith.mulf %get3A_995, %mul3A_1021 : vector<256x64xf32>
    %add3A_1023 = arith.addf %add3A_988, %mul3A_1022 : vector<256x64xf32>
    %slice3A_1024 = vector.extract_strided_slice %select_n3A_528 {offsets = [0, 13], sizes = [256, 1], strides = [1, 1]} : vector<256x20xf32> to vector<256x1xf32>
    %mul3A_1025 = vector.broadcast %slice3A_1024 : vector<256x1xf32> to vector<256x64xf32>
    %mul3A_1026 = arith.mulf %get3A_995, %mul3A_1025 : vector<256x64xf32>
    %add3A_1027 = arith.addf %add3A_992, %mul3A_1026 : vector<256x64xf32>
    %get3A_1028 = arith.constant 0 : index
    %get3A_1029 = arith.constant 1792 : index
    %get3A_1030 = vector.load %arg1[%get3A_1028, %get3A_1029] : memref<256x2560xf32, #tpu.memory_space<vmem>>, vector<256x64xf32>
    %slice3A_1031 = vector.extract_strided_slice %select_n3A {offsets = [0, 14], sizes = [256, 1], strides = [1, 1]} : vector<256x20xf32> to vector<256x1xf32>
    %mul3A_1032 = vector.broadcast %slice3A_1031 : vector<256x1xf32> to vector<256x64xf32>
    %mul3A_1033 = arith.mulf %get3A_1030, %mul3A_1032 : vector<256x64xf32>
    %add3A_1034 = arith.addf %add3A_999, %mul3A_1033 : vector<256x64xf32>
    %slice3A_1035 = vector.extract_strided_slice %select_n3A_288 {offsets = [0, 14], sizes = [256, 1], strides = [1, 1]} : vector<256x20xf32> to vector<256x1xf32>
    %mul3A_1036 = vector.broadcast %slice3A_1035 : vector<256x1xf32> to vector<256x64xf32>
    %mul3A_1037 = arith.mulf %get3A_1030, %mul3A_1036 : vector<256x64xf32>
    %add3A_1038 = arith.addf %add3A_1003, %mul3A_1037 : vector<256x64xf32>
    %slice3A_1039 = vector.extract_strided_slice %select_n3A_328 {offsets = [0, 14], sizes = [256, 1], strides = [1, 1]} : vector<256x20xf32> to vector<256x1xf32>
    %mul3A_1040 = vector.broadcast %slice3A_1039 : vector<256x1xf32> to vector<256x64xf32>
    %mul3A_1041 = arith.mulf %get3A_1030, %mul3A_1040 : vector<256x64xf32>
    %add3A_1042 = arith.addf %add3A_1007, %mul3A_1041 : vector<256x64xf32>
    %slice3A_1043 = vector.extract_strided_slice %select_n3A_368 {offsets = [0, 14], sizes = [256, 1], strides = [1, 1]} : vector<256x20xf32> to vector<256x1xf32>
    %mul3A_1044 = vector.broadcast %slice3A_1043 : vector<256x1xf32> to vector<256x64xf32>
    %mul3A_1045 = arith.mulf %get3A_1030, %mul3A_1044 : vector<256x64xf32>
    %add3A_1046 = arith.addf %add3A_1011, %mul3A_1045 : vector<256x64xf32>
    %slice3A_1047 = vector.extract_strided_slice %select_n3A_408 {offsets = [0, 14], sizes = [256, 1], strides = [1, 1]} : vector<256x20xf32> to vector<256x1xf32>
    %mul3A_1048 = vector.broadcast %slice3A_1047 : vector<256x1xf32> to vector<256x64xf32>
    %mul3A_1049 = arith.mulf %get3A_1030, %mul3A_1048 : vector<256x64xf32>
    %add3A_1050 = arith.addf %add3A_1015, %mul3A_1049 : vector<256x64xf32>
    %slice3A_1051 = vector.extract_strided_slice %select_n3A_448 {offsets = [0, 14], sizes = [256, 1], strides = [1, 1]} : vector<256x20xf32> to vector<256x1xf32>
    %mul3A_1052 = vector.broadcast %slice3A_1051 : vector<256x1xf32> to vector<256x64xf32>
    %mul3A_1053 = arith.mulf %get3A_1030, %mul3A_1052 : vector<256x64xf32>
    %add3A_1054 = arith.addf %add3A_1019, %mul3A_1053 : vector<256x64xf32>
    %slice3A_1055 = vector.extract_strided_slice %select_n3A_488 {offsets = [0, 14], sizes = [256, 1], strides = [1, 1]} : vector<256x20xf32> to vector<256x1xf32>
    %mul3A_1056 = vector.broadcast %slice3A_1055 : vector<256x1xf32> to vector<256x64xf32>
    %mul3A_1057 = arith.mulf %get3A_1030, %mul3A_1056 : vector<256x64xf32>
    %add3A_1058 = arith.addf %add3A_1023, %mul3A_1057 : vector<256x64xf32>
    %slice3A_1059 = vector.extract_strided_slice %select_n3A_528 {offsets = [0, 14], sizes = [256, 1], strides = [1, 1]} : vector<256x20xf32> to vector<256x1xf32>
    %mul3A_1060 = vector.broadcast %slice3A_1059 : vector<256x1xf32> to vector<256x64xf32>
    %mul3A_1061 = arith.mulf %get3A_1030, %mul3A_1060 : vector<256x64xf32>
    %add3A_1062 = arith.addf %add3A_1027, %mul3A_1061 : vector<256x64xf32>
    %get3A_1063 = arith.constant 0 : index
    %get3A_1064 = arith.constant 1920 : index
    %get3A_1065 = vector.load %arg1[%get3A_1063, %get3A_1064] : memref<256x2560xf32, #tpu.memory_space<vmem>>, vector<256x64xf32>
    %slice3A_1066 = vector.extract_strided_slice %select_n3A {offsets = [0, 15], sizes = [256, 1], strides = [1, 1]} : vector<256x20xf32> to vector<256x1xf32>
    %mul3A_1067 = vector.broadcast %slice3A_1066 : vector<256x1xf32> to vector<256x64xf32>
    %mul3A_1068 = arith.mulf %get3A_1065, %mul3A_1067 : vector<256x64xf32>
    %add3A_1069 = arith.addf %add3A_1034, %mul3A_1068 : vector<256x64xf32>
    %slice3A_1070 = vector.extract_strided_slice %select_n3A_288 {offsets = [0, 15], sizes = [256, 1], strides = [1, 1]} : vector<256x20xf32> to vector<256x1xf32>
    %mul3A_1071 = vector.broadcast %slice3A_1070 : vector<256x1xf32> to vector<256x64xf32>
    %mul3A_1072 = arith.mulf %get3A_1065, %mul3A_1071 : vector<256x64xf32>
    %add3A_1073 = arith.addf %add3A_1038, %mul3A_1072 : vector<256x64xf32>
    %slice3A_1074 = vector.extract_strided_slice %select_n3A_328 {offsets = [0, 15], sizes = [256, 1], strides = [1, 1]} : vector<256x20xf32> to vector<256x1xf32>
    %mul3A_1075 = vector.broadcast %slice3A_1074 : vector<256x1xf32> to vector<256x64xf32>
    %mul3A_1076 = arith.mulf %get3A_1065, %mul3A_1075 : vector<256x64xf32>
    %add3A_1077 = arith.addf %add3A_1042, %mul3A_1076 : vector<256x64xf32>
    %slice3A_1078 = vector.extract_strided_slice %select_n3A_368 {offsets = [0, 15], sizes = [256, 1], strides = [1, 1]} : vector<256x20xf32> to vector<256x1xf32>
    %mul3A_1079 = vector.broadcast %slice3A_1078 : vector<256x1xf32> to vector<256x64xf32>
    %mul3A_1080 = arith.mulf %get3A_1065, %mul3A_1079 : vector<256x64xf32>
    %add3A_1081 = arith.addf %add3A_1046, %mul3A_1080 : vector<256x64xf32>
    %slice3A_1082 = vector.extract_strided_slice %select_n3A_408 {offsets = [0, 15], sizes = [256, 1], strides = [1, 1]} : vector<256x20xf32> to vector<256x1xf32>
    %mul3A_1083 = vector.broadcast %slice3A_1082 : vector<256x1xf32> to vector<256x64xf32>
    %mul3A_1084 = arith.mulf %get3A_1065, %mul3A_1083 : vector<256x64xf32>
    %add3A_1085 = arith.addf %add3A_1050, %mul3A_1084 : vector<256x64xf32>
    %slice3A_1086 = vector.extract_strided_slice %select_n3A_448 {offsets = [0, 15], sizes = [256, 1], strides = [1, 1]} : vector<256x20xf32> to vector<256x1xf32>
    %mul3A_1087 = vector.broadcast %slice3A_1086 : vector<256x1xf32> to vector<256x64xf32>
    %mul3A_1088 = arith.mulf %get3A_1065, %mul3A_1087 : vector<256x64xf32>
    %add3A_1089 = arith.addf %add3A_1054, %mul3A_1088 : vector<256x64xf32>
    %slice3A_1090 = vector.extract_strided_slice %select_n3A_488 {offsets = [0, 15], sizes = [256, 1], strides = [1, 1]} : vector<256x20xf32> to vector<256x1xf32>
    %mul3A_1091 = vector.broadcast %slice3A_1090 : vector<256x1xf32> to vector<256x64xf32>
    %mul3A_1092 = arith.mulf %get3A_1065, %mul3A_1091 : vector<256x64xf32>
    %add3A_1093 = arith.addf %add3A_1058, %mul3A_1092 : vector<256x64xf32>
    %slice3A_1094 = vector.extract_strided_slice %select_n3A_528 {offsets = [0, 15], sizes = [256, 1], strides = [1, 1]} : vector<256x20xf32> to vector<256x1xf32>
    %mul3A_1095 = vector.broadcast %slice3A_1094 : vector<256x1xf32> to vector<256x64xf32>
    %mul3A_1096 = arith.mulf %get3A_1065, %mul3A_1095 : vector<256x64xf32>
    %add3A_1097 = arith.addf %add3A_1062, %mul3A_1096 : vector<256x64xf32>
    %get3A_1098 = arith.constant 0 : index
    %get3A_1099 = arith.constant 2048 : index
    %get3A_1100 = vector.load %arg1[%get3A_1098, %get3A_1099] : memref<256x2560xf32, #tpu.memory_space<vmem>>, vector<256x64xf32>
    %slice3A_1101 = vector.extract_strided_slice %select_n3A {offsets = [0, 16], sizes = [256, 1], strides = [1, 1]} : vector<256x20xf32> to vector<256x1xf32>
    %mul3A_1102 = vector.broadcast %slice3A_1101 : vector<256x1xf32> to vector<256x64xf32>
    %mul3A_1103 = arith.mulf %get3A_1100, %mul3A_1102 : vector<256x64xf32>
    %add3A_1104 = arith.addf %add3A_1069, %mul3A_1103 : vector<256x64xf32>
    %slice3A_1105 = vector.extract_strided_slice %select_n3A_288 {offsets = [0, 16], sizes = [256, 1], strides = [1, 1]} : vector<256x20xf32> to vector<256x1xf32>
    %mul3A_1106 = vector.broadcast %slice3A_1105 : vector<256x1xf32> to vector<256x64xf32>
    %mul3A_1107 = arith.mulf %get3A_1100, %mul3A_1106 : vector<256x64xf32>
    %add3A_1108 = arith.addf %add3A_1073, %mul3A_1107 : vector<256x64xf32>
    %slice3A_1109 = vector.extract_strided_slice %select_n3A_328 {offsets = [0, 16], sizes = [256, 1], strides = [1, 1]} : vector<256x20xf32> to vector<256x1xf32>
    %mul3A_1110 = vector.broadcast %slice3A_1109 : vector<256x1xf32> to vector<256x64xf32>
    %mul3A_1111 = arith.mulf %get3A_1100, %mul3A_1110 : vector<256x64xf32>
    %add3A_1112 = arith.addf %add3A_1077, %mul3A_1111 : vector<256x64xf32>
    %slice3A_1113 = vector.extract_strided_slice %select_n3A_368 {offsets = [0, 16], sizes = [256, 1], strides = [1, 1]} : vector<256x20xf32> to vector<256x1xf32>
    %mul3A_1114 = vector.broadcast %slice3A_1113 : vector<256x1xf32> to vector<256x64xf32>
    %mul3A_1115 = arith.mulf %get3A_1100, %mul3A_1114 : vector<256x64xf32>
    %add3A_1116 = arith.addf %add3A_1081, %mul3A_1115 : vector<256x64xf32>
    %slice3A_1117 = vector.extract_strided_slice %select_n3A_408 {offsets = [0, 16], sizes = [256, 1], strides = [1, 1]} : vector<256x20xf32> to vector<256x1xf32>
    %mul3A_1118 = vector.broadcast %slice3A_1117 : vector<256x1xf32> to vector<256x64xf32>
    %mul3A_1119 = arith.mulf %get3A_1100, %mul3A_1118 : vector<256x64xf32>
    %add3A_1120 = arith.addf %add3A_1085, %mul3A_1119 : vector<256x64xf32>
    %slice3A_1121 = vector.extract_strided_slice %select_n3A_448 {offsets = [0, 16], sizes = [256, 1], strides = [1, 1]} : vector<256x20xf32> to vector<256x1xf32>
    %mul3A_1122 = vector.broadcast %slice3A_1121 : vector<256x1xf32> to vector<256x64xf32>
    %mul3A_1123 = arith.mulf %get3A_1100, %mul3A_1122 : vector<256x64xf32>
    %add3A_1124 = arith.addf %add3A_1089, %mul3A_1123 : vector<256x64xf32>
    %slice3A_1125 = vector.extract_strided_slice %select_n3A_488 {offsets = [0, 16], sizes = [256, 1], strides = [1, 1]} : vector<256x20xf32> to vector<256x1xf32>
    %mul3A_1126 = vector.broadcast %slice3A_1125 : vector<256x1xf32> to vector<256x64xf32>
    %mul3A_1127 = arith.mulf %get3A_1100, %mul3A_1126 : vector<256x64xf32>
    %add3A_1128 = arith.addf %add3A_1093, %mul3A_1127 : vector<256x64xf32>
    %slice3A_1129 = vector.extract_strided_slice %select_n3A_528 {offsets = [0, 16], sizes = [256, 1], strides = [1, 1]} : vector<256x20xf32> to vector<256x1xf32>
    %mul3A_1130 = vector.broadcast %slice3A_1129 : vector<256x1xf32> to vector<256x64xf32>
    %mul3A_1131 = arith.mulf %get3A_1100, %mul3A_1130 : vector<256x64xf32>
    %add3A_1132 = arith.addf %add3A_1097, %mul3A_1131 : vector<256x64xf32>
    %get3A_1133 = arith.constant 0 : index
    %get3A_1134 = arith.constant 2176 : index
    %get3A_1135 = vector.load %arg1[%get3A_1133, %get3A_1134] : memref<256x2560xf32, #tpu.memory_space<vmem>>, vector<256x64xf32>
    %slice3A_1136 = vector.extract_strided_slice %select_n3A {offsets = [0, 17], sizes = [256, 1], strides = [1, 1]} : vector<256x20xf32> to vector<256x1xf32>
    %mul3A_1137 = vector.broadcast %slice3A_1136 : vector<256x1xf32> to vector<256x64xf32>
    %mul3A_1138 = arith.mulf %get3A_1135, %mul3A_1137 : vector<256x64xf32>
    %add3A_1139 = arith.addf %add3A_1104, %mul3A_1138 : vector<256x64xf32>
    %slice3A_1140 = vector.extract_strided_slice %select_n3A_288 {offsets = [0, 17], sizes = [256, 1], strides = [1, 1]} : vector<256x20xf32> to vector<256x1xf32>
    %mul3A_1141 = vector.broadcast %slice3A_1140 : vector<256x1xf32> to vector<256x64xf32>
    %mul3A_1142 = arith.mulf %get3A_1135, %mul3A_1141 : vector<256x64xf32>
    %add3A_1143 = arith.addf %add3A_1108, %mul3A_1142 : vector<256x64xf32>
    %slice3A_1144 = vector.extract_strided_slice %select_n3A_328 {offsets = [0, 17], sizes = [256, 1], strides = [1, 1]} : vector<256x20xf32> to vector<256x1xf32>
    %mul3A_1145 = vector.broadcast %slice3A_1144 : vector<256x1xf32> to vector<256x64xf32>
    %mul3A_1146 = arith.mulf %get3A_1135, %mul3A_1145 : vector<256x64xf32>
    %add3A_1147 = arith.addf %add3A_1112, %mul3A_1146 : vector<256x64xf32>
    %slice3A_1148 = vector.extract_strided_slice %select_n3A_368 {offsets = [0, 17], sizes = [256, 1], strides = [1, 1]} : vector<256x20xf32> to vector<256x1xf32>
    %mul3A_1149 = vector.broadcast %slice3A_1148 : vector<256x1xf32> to vector<256x64xf32>
    %mul3A_1150 = arith.mulf %get3A_1135, %mul3A_1149 : vector<256x64xf32>
    %add3A_1151 = arith.addf %add3A_1116, %mul3A_1150 : vector<256x64xf32>
    %slice3A_1152 = vector.extract_strided_slice %select_n3A_408 {offsets = [0, 17], sizes = [256, 1], strides = [1, 1]} : vector<256x20xf32> to vector<256x1xf32>
    %mul3A_1153 = vector.broadcast %slice3A_1152 : vector<256x1xf32> to vector<256x64xf32>
    %mul3A_1154 = arith.mulf %get3A_1135, %mul3A_1153 : vector<256x64xf32>
    %add3A_1155 = arith.addf %add3A_1120, %mul3A_1154 : vector<256x64xf32>
    %slice3A_1156 = vector.extract_strided_slice %select_n3A_448 {offsets = [0, 17], sizes = [256, 1], strides = [1, 1]} : vector<256x20xf32> to vector<256x1xf32>
    %mul3A_1157 = vector.broadcast %slice3A_1156 : vector<256x1xf32> to vector<256x64xf32>
    %mul3A_1158 = arith.mulf %get3A_1135, %mul3A_1157 : vector<256x64xf32>
    %add3A_1159 = arith.addf %add3A_1124, %mul3A_1158 : vector<256x64xf32>
    %slice3A_1160 = vector.extract_strided_slice %select_n3A_488 {offsets = [0, 17], sizes = [256, 1], strides = [1, 1]} : vector<256x20xf32> to vector<256x1xf32>
    %mul3A_1161 = vector.broadcast %slice3A_1160 : vector<256x1xf32> to vector<256x64xf32>
    %mul3A_1162 = arith.mulf %get3A_1135, %mul3A_1161 : vector<256x64xf32>
    %add3A_1163 = arith.addf %add3A_1128, %mul3A_1162 : vector<256x64xf32>
    %slice3A_1164 = vector.extract_strided_slice %select_n3A_528 {offsets = [0, 17], sizes = [256, 1], strides = [1, 1]} : vector<256x20xf32> to vector<256x1xf32>
    %mul3A_1165 = vector.broadcast %slice3A_1164 : vector<256x1xf32> to vector<256x64xf32>
    %mul3A_1166 = arith.mulf %get3A_1135, %mul3A_1165 : vector<256x64xf32>
    %add3A_1167 = arith.addf %add3A_1132, %mul3A_1166 : vector<256x64xf32>
    %get3A_1168 = arith.constant 0 : index
    %get3A_1169 = arith.constant 2304 : index
    %get3A_1170 = vector.load %arg1[%get3A_1168, %get3A_1169] : memref<256x2560xf32, #tpu.memory_space<vmem>>, vector<256x64xf32>
    %slice3A_1171 = vector.extract_strided_slice %select_n3A {offsets = [0, 18], sizes = [256, 1], strides = [1, 1]} : vector<256x20xf32> to vector<256x1xf32>
    %mul3A_1172 = vector.broadcast %slice3A_1171 : vector<256x1xf32> to vector<256x64xf32>
    %mul3A_1173 = arith.mulf %get3A_1170, %mul3A_1172 : vector<256x64xf32>
    %add3A_1174 = arith.addf %add3A_1139, %mul3A_1173 : vector<256x64xf32>
    %slice3A_1175 = vector.extract_strided_slice %select_n3A_288 {offsets = [0, 18], sizes = [256, 1], strides = [1, 1]} : vector<256x20xf32> to vector<256x1xf32>
    %mul3A_1176 = vector.broadcast %slice3A_1175 : vector<256x1xf32> to vector<256x64xf32>
    %mul3A_1177 = arith.mulf %get3A_1170, %mul3A_1176 : vector<256x64xf32>
    %add3A_1178 = arith.addf %add3A_1143, %mul3A_1177 : vector<256x64xf32>
    %slice3A_1179 = vector.extract_strided_slice %select_n3A_328 {offsets = [0, 18], sizes = [256, 1], strides = [1, 1]} : vector<256x20xf32> to vector<256x1xf32>
    %mul3A_1180 = vector.broadcast %slice3A_1179 : vector<256x1xf32> to vector<256x64xf32>
    %mul3A_1181 = arith.mulf %get3A_1170, %mul3A_1180 : vector<256x64xf32>
    %add3A_1182 = arith.addf %add3A_1147, %mul3A_1181 : vector<256x64xf32>
    %slice3A_1183 = vector.extract_strided_slice %select_n3A_368 {offsets = [0, 18], sizes = [256, 1], strides = [1, 1]} : vector<256x20xf32> to vector<256x1xf32>
    %mul3A_1184 = vector.broadcast %slice3A_1183 : vector<256x1xf32> to vector<256x64xf32>
    %mul3A_1185 = arith.mulf %get3A_1170, %mul3A_1184 : vector<256x64xf32>
    %add3A_1186 = arith.addf %add3A_1151, %mul3A_1185 : vector<256x64xf32>
    %slice3A_1187 = vector.extract_strided_slice %select_n3A_408 {offsets = [0, 18], sizes = [256, 1], strides = [1, 1]} : vector<256x20xf32> to vector<256x1xf32>
    %mul3A_1188 = vector.broadcast %slice3A_1187 : vector<256x1xf32> to vector<256x64xf32>
    %mul3A_1189 = arith.mulf %get3A_1170, %mul3A_1188 : vector<256x64xf32>
    %add3A_1190 = arith.addf %add3A_1155, %mul3A_1189 : vector<256x64xf32>
    %slice3A_1191 = vector.extract_strided_slice %select_n3A_448 {offsets = [0, 18], sizes = [256, 1], strides = [1, 1]} : vector<256x20xf32> to vector<256x1xf32>
    %mul3A_1192 = vector.broadcast %slice3A_1191 : vector<256x1xf32> to vector<256x64xf32>
    %mul3A_1193 = arith.mulf %get3A_1170, %mul3A_1192 : vector<256x64xf32>
    %add3A_1194 = arith.addf %add3A_1159, %mul3A_1193 : vector<256x64xf32>
    %slice3A_1195 = vector.extract_strided_slice %select_n3A_488 {offsets = [0, 18], sizes = [256, 1], strides = [1, 1]} : vector<256x20xf32> to vector<256x1xf32>
    %mul3A_1196 = vector.broadcast %slice3A_1195 : vector<256x1xf32> to vector<256x64xf32>
    %mul3A_1197 = arith.mulf %get3A_1170, %mul3A_1196 : vector<256x64xf32>
    %add3A_1198 = arith.addf %add3A_1163, %mul3A_1197 : vector<256x64xf32>
    %slice3A_1199 = vector.extract_strided_slice %select_n3A_528 {offsets = [0, 18], sizes = [256, 1], strides = [1, 1]} : vector<256x20xf32> to vector<256x1xf32>
    %mul3A_1200 = vector.broadcast %slice3A_1199 : vector<256x1xf32> to vector<256x64xf32>
    %mul3A_1201 = arith.mulf %get3A_1170, %mul3A_1200 : vector<256x64xf32>
    %add3A_1202 = arith.addf %add3A_1167, %mul3A_1201 : vector<256x64xf32>
    %get3A_1203 = arith.constant 0 : index
    %get3A_1204 = arith.constant 2432 : index
    %get3A_1205 = vector.load %arg1[%get3A_1203, %get3A_1204] : memref<256x2560xf32, #tpu.memory_space<vmem>>, vector<256x64xf32>
    %slice3A_1206 = vector.extract_strided_slice %select_n3A {offsets = [0, 19], sizes = [256, 1], strides = [1, 1]} : vector<256x20xf32> to vector<256x1xf32>
    %mul3A_1207 = vector.broadcast %slice3A_1206 : vector<256x1xf32> to vector<256x64xf32>
    %mul3A_1208 = arith.mulf %get3A_1205, %mul3A_1207 : vector<256x64xf32>
    %add3A_1209 = arith.addf %add3A_1174, %mul3A_1208 : vector<256x64xf32>
    %slice3A_1210 = vector.extract_strided_slice %select_n3A_288 {offsets = [0, 19], sizes = [256, 1], strides = [1, 1]} : vector<256x20xf32> to vector<256x1xf32>
    %mul3A_1211 = vector.broadcast %slice3A_1210 : vector<256x1xf32> to vector<256x64xf32>
    %mul3A_1212 = arith.mulf %get3A_1205, %mul3A_1211 : vector<256x64xf32>
    %add3A_1213 = arith.addf %add3A_1178, %mul3A_1212 : vector<256x64xf32>
    %slice3A_1214 = vector.extract_strided_slice %select_n3A_328 {offsets = [0, 19], sizes = [256, 1], strides = [1, 1]} : vector<256x20xf32> to vector<256x1xf32>
    %mul3A_1215 = vector.broadcast %slice3A_1214 : vector<256x1xf32> to vector<256x64xf32>
    %mul3A_1216 = arith.mulf %get3A_1205, %mul3A_1215 : vector<256x64xf32>
    %add3A_1217 = arith.addf %add3A_1182, %mul3A_1216 : vector<256x64xf32>
    %slice3A_1218 = vector.extract_strided_slice %select_n3A_368 {offsets = [0, 19], sizes = [256, 1], strides = [1, 1]} : vector<256x20xf32> to vector<256x1xf32>
    %mul3A_1219 = vector.broadcast %slice3A_1218 : vector<256x1xf32> to vector<256x64xf32>
    %mul3A_1220 = arith.mulf %get3A_1205, %mul3A_1219 : vector<256x64xf32>
    %add3A_1221 = arith.addf %add3A_1186, %mul3A_1220 : vector<256x64xf32>
    %slice3A_1222 = vector.extract_strided_slice %select_n3A_408 {offsets = [0, 19], sizes = [256, 1], strides = [1, 1]} : vector<256x20xf32> to vector<256x1xf32>
    %mul3A_1223 = vector.broadcast %slice3A_1222 : vector<256x1xf32> to vector<256x64xf32>
    %mul3A_1224 = arith.mulf %get3A_1205, %mul3A_1223 : vector<256x64xf32>
    %add3A_1225 = arith.addf %add3A_1190, %mul3A_1224 : vector<256x64xf32>
    %slice3A_1226 = vector.extract_strided_slice %select_n3A_448 {offsets = [0, 19], sizes = [256, 1], strides = [1, 1]} : vector<256x20xf32> to vector<256x1xf32>
    %mul3A_1227 = vector.broadcast %slice3A_1226 : vector<256x1xf32> to vector<256x64xf32>
    %mul3A_1228 = arith.mulf %get3A_1205, %mul3A_1227 : vector<256x64xf32>
    %add3A_1229 = arith.addf %add3A_1194, %mul3A_1228 : vector<256x64xf32>
    %slice3A_1230 = vector.extract_strided_slice %select_n3A_488 {offsets = [0, 19], sizes = [256, 1], strides = [1, 1]} : vector<256x20xf32> to vector<256x1xf32>
    %mul3A_1231 = vector.broadcast %slice3A_1230 : vector<256x1xf32> to vector<256x64xf32>
    %mul3A_1232 = arith.mulf %get3A_1205, %mul3A_1231 : vector<256x64xf32>
    %add3A_1233 = arith.addf %add3A_1198, %mul3A_1232 : vector<256x64xf32>
    %slice3A_1234 = vector.extract_strided_slice %select_n3A_528 {offsets = [0, 19], sizes = [256, 1], strides = [1, 1]} : vector<256x20xf32> to vector<256x1xf32>
    %mul3A_1235 = vector.broadcast %slice3A_1234 : vector<256x1xf32> to vector<256x64xf32>
    %mul3A_1236 = arith.mulf %get3A_1205, %mul3A_1235 : vector<256x64xf32>
    %add3A_1237 = arith.addf %add3A_1202, %mul3A_1236 : vector<256x64xf32>
    %concatenate3A_1238 = tpu.concatenate %add3A_1209, %add3A_1213, %add3A_1217, %add3A_1221, %add3A_1225, %add3A_1229, %add3A_1233, %add3A_1237 in 1 : vector<256x64xf32>, vector<256x64xf32>, vector<256x64xf32>, vector<256x64xf32>, vector<256x64xf32>, vector<256x64xf32>, vector<256x64xf32>, vector<256x64xf32> -> vector<256x512xf32>
    %get3A_1239 = arith.constant 0 : index
    %get3A_1240 = arith.constant 0 : index
    %get3A_1241 = vector.load %arg4[%get3A_1239, %get3A_1240] : memref<512x64xf32, #tpu.memory_space<vmem>>, vector<512x64xf32>
    %dot_general3A = arith.constant dense<0.000000e+00> : vector<256x64xf32>
    %dot_general3A_1242 = tpu.matmul %concatenate3A_1238, %get3A_1241, %dot_general3A {dimension_numbers = #tpu.dot_dimension_numbers<[1], [0], [0], [1], [0, 0, 1, 1], [], []>, transpose_lhs_hint = false} : vector<256x512xf32>, vector<512x64xf32>, vector<256x64xf32> -> vector<256x64xf32>
    %get3A_1243 = arith.constant 0 : index
    %get3A_1244 = arith.constant 0 : index
    %get3A_1245 = vector.load %arg5[%get3A_1243, %get3A_1244] : memref<1280x64xf32, #tpu.memory_space<vmem>>, vector<1280x64xf32>
    %dot_general3A_1246 = arith.constant dense<0.000000e+00> : vector<256x64xf32>
    %dot_general3A_1247 = tpu.matmul %concatenate3A_545, %get3A_1245, %dot_general3A_1246 {dimension_numbers = #tpu.dot_dimension_numbers<[1], [0], [0], [1], [0, 0, 1, 1], [], []>, transpose_lhs_hint = false} : vector<256x1280xf32>, vector<1280x64xf32>, vector<256x64xf32> -> vector<256x64xf32>
    %add3A_1248 = arith.addf %dot_general3A_1242, %dot_general3A_1247 : vector<256x64xf32>
    %get3A_1249 = arith.constant 0 : index
    %get3A_1250 = arith.constant 0 : index
    %get3A_1251 = vector.load %arg6[%get3A_1249, %get3A_1250] : memref<1x64xf32, #tpu.memory_space<vmem>>, vector<1x64xf32>
    %add3A_1252 = vector.broadcast %get3A_1251 : vector<1x64xf32> to vector<256x64xf32>
    %add3A_1253 = arith.addf %add3A_1248, %add3A_1252 : vector<256x64xf32>
    %swap3A = arith.constant 0 : index
    %swap3A_1254 = arith.constant 0 : index
    %swap3A_1255 = vector.load %arg7[%swap3A, %swap3A_1254] : memref<256x64xf32, #tpu.memory_space<vmem>>, vector<256x64xf32>
    tpu.vector_store %arg7[%swap3A, %swap3A_1254], %add3A_1253 {strides = array<i32>} : memref<256x64xf32, #tpu.memory_space<vmem>>, vector<256x64xf32>,
    return
  }
  func.func @transform_0(%arg0: i32) -> (i32, i32) {
    %c0_i32 = arith.constant 0 : i32
    %c0_i32_0 = arith.constant 0 : i32
    return %arg0, %c0_i32 : i32, i32
  }
  func.func @transform_1(%arg0: i32) -> (i32, i32) {
    %c0_i32 = arith.constant 0 : i32
    %c0_i32_0 = arith.constant 0 : i32
    %c0_i32_1 = arith.constant 0 : i32
    return %c0_i32, %c0_i32_0 : i32, i32
  }
  func.func @transform_2(%arg0: i32) -> (i32, i32) {
    %c0_i32 = arith.constant 0 : i32
    %c0_i32_0 = arith.constant 0 : i32
    %c0_i32_1 = arith.constant 0 : i32
    return %c0_i32, %c0_i32_0 : i32, i32
  }
  func.func @transform_3(%arg0: i32) -> (i32, i32) {
    %c0_i32 = arith.constant 0 : i32
    %c0_i32_0 = arith.constant 0 : i32
    %c0_i32_1 = arith.constant 0 : i32
    return %c0_i32, %c0_i32_0 : i32, i32
  }
  func.func @transform_4(%arg0: i32) -> (i32, i32) {
    %c0_i32 = arith.constant 0 : i32
    %c0_i32_0 = arith.constant 0 : i32
    %c0_i32_1 = arith.constant 0 : i32
    return %c0_i32, %c0_i32_0 : i32, i32
  }
  func.func @transform_5(%arg0: i32) -> (i32, i32) {
    %c0_i32 = arith.constant 0 : i32
    %c0_i32_0 = arith.constant 0 : i32
    %c0_i32_1 = arith.constant 0 : i32
    return %c0_i32, %c0_i32_0 : i32, i32
  }
  func.func @transform_6(%arg0: i32) -> (i32, i32) {
    %c0_i32 = arith.constant 0 : i32
    %c0_i32_0 = arith.constant 0 : i32
    return %arg0, %c0_i32 : i32, i32
  }
}

module attributes {stable_mosaic.version = 14 : i64} {
  func.func @_bn_kernel(%arg0: memref<16384x64xf32, #tpu.memory_space<vmem>>, %arg1: memref<1x64xf32, #tpu.memory_space<vmem>>, %arg2: memref<1x64xf32, #tpu.memory_space<vmem>>, %arg3: memref<16384x64xf32, #tpu.memory_space<vmem>>) attributes {dimension_semantics = [], scalar_prefetch = 0 : i64, scratch_operands = 0 : i64, tpu.core_type = #tpu.core_type<tc>} {
    %get3A = arith.constant 0 : index
    %get3A_0 = arith.constant 0 : index
    %get3A_1 = vector.load %arg0[%get3A, %get3A_0] : memref<16384x64xf32, #tpu.memory_space<vmem>>, vector<16384x64xf32>
    %reduce_sum3A = arith.constant dense<0.000000e+00> : vector<64xf32>
    %reduce_sum3A_2 = vector.multi_reduction <add>, %get3A_1, %reduce_sum3A [0] : vector<16384x64xf32> to vector<64xf32>
    %broadcast_in_dim3A = vector.shape_cast %reduce_sum3A_2 : vector<64xf32> to vector<1x64xf32>
    %div3A = arith.constant 1.638400e+04 : f32
    %div3A_3 = vector.broadcast %div3A : f32 to vector<1x64xf32>
    %div3A_4 = arith.divf %broadcast_in_dim3A, %div3A_3 : vector<1x64xf32>
    %sub3A = vector.broadcast %div3A_4 : vector<1x64xf32> to vector<16384x64xf32>
    %sub3A_5 = arith.subf %get3A_1, %sub3A : vector<16384x64xf32>
    %integer_pow3A = arith.mulf %sub3A_5, %sub3A_5 : vector<16384x64xf32>
    %reduce_sum3A_6 = arith.constant dense<0.000000e+00> : vector<64xf32>
    %reduce_sum3A_7 = vector.multi_reduction <add>, %integer_pow3A, %reduce_sum3A_6 [0] : vector<16384x64xf32> to vector<64xf32>
    %broadcast_in_dim3A_8 = vector.shape_cast %reduce_sum3A_7 : vector<64xf32> to vector<1x64xf32>
    %div3A_9 = arith.constant 1.638400e+04 : f32
    %div3A_10 = vector.broadcast %div3A_9 : f32 to vector<1x64xf32>
    %div3A_11 = arith.divf %broadcast_in_dim3A_8, %div3A_10 : vector<1x64xf32>
    %sub3A_12 = vector.broadcast %div3A_4 : vector<1x64xf32> to vector<16384x64xf32>
    %sub3A_13 = arith.subf %get3A_1, %sub3A_12 : vector<16384x64xf32>
    %add3A = arith.constant 9.99999974E-6 : f32
    %add3A_14 = vector.broadcast %add3A : f32 to vector<1x64xf32>
    %add3A_15 = arith.addf %div3A_11, %add3A_14 : vector<1x64xf32>
    %sqrt3A = math.sqrt %add3A_15 : vector<1x64xf32>
    %div3A_16 = vector.broadcast %sqrt3A : vector<1x64xf32> to vector<16384x64xf32>
    %div3A_17 = arith.divf %sub3A_13, %div3A_16 : vector<16384x64xf32>
    %get3A_18 = arith.constant 0 : index
    %get3A_19 = arith.constant 0 : index
    %get3A_20 = vector.load %arg1[%get3A_18, %get3A_19] : memref<1x64xf32, #tpu.memory_space<vmem>>, vector<1x64xf32>
    %mul3A = vector.broadcast %get3A_20 : vector<1x64xf32> to vector<16384x64xf32>
    %mul3A_21 = arith.mulf %div3A_17, %mul3A : vector<16384x64xf32>
    %get3A_22 = arith.constant 0 : index
    %get3A_23 = arith.constant 0 : index
    %get3A_24 = vector.load %arg2[%get3A_22, %get3A_23] : memref<1x64xf32, #tpu.memory_space<vmem>>, vector<1x64xf32>
    %add3A_25 = vector.broadcast %get3A_24 : vector<1x64xf32> to vector<16384x64xf32>
    %add3A_26 = arith.addf %mul3A_21, %add3A_25 : vector<16384x64xf32>
    %swap3A = arith.constant 0 : index
    %swap3A_27 = arith.constant 0 : index
    %swap3A_28 = vector.load %arg3[%swap3A, %swap3A_27] : memref<16384x64xf32, #tpu.memory_space<vmem>>, vector<16384x64xf32>
    tpu.vector_store %arg3[%swap3A, %swap3A_27], %add3A_26 {strides = array<i32>} : memref<16384x64xf32, #tpu.memory_space<vmem>>, vector<16384x64xf32>,
    return
  }
}

</mosaic_0001>

<sc_bundles>
// kernel: kernel.6.cloned.1.call-start
scs
__scs_entry_jumppad:
0x0: {  	(pc) =	sbr.rel $0x88, $3  }
0x1: {  	(tag) =	ssettag $0x0;
	lr =	simm.s32 $0x1  }
0x2: {  	[smem:$0x3F97] =	sst lr;
	_ =	strace $0xD0000000  }
0x3: {  	_ = 	snop  }
0x4: {  	_ = 	snop  }
0x5: {  	_ = 	snop  }
0x6: {  	_ = 	snop  }
0x7: {  	_ = 	snop  }
__scs_overlays_trampoline_lowered:
0x8: {  	[smem:$0x3FA6] =	sst s0  }
0x9: {  	[smem:$0x3FA7] =	sst s1  }
0xa: {  	[smem:$0x3FA8] =	sst s2  }
0xb: {  	[smem:$0x3FA9] =	sst s3  }
0xc: {  	[smem:$0x3FAA] =	sst s4  }
0xd: {  	[smem:$0x3FAB] =	sst s5  }
0xe: {  	[smem:$0x3FAC] =	sst s6  }
0xf: {  	[smem:$0x3FAD] =	sst s7  }
0x10: {  	[smem:$0x3FAE] =	sst s8  }
0x11: {  	[smem:$0x3FAF] =	sst s9;
	s0 =	simm.s32 @!p0 $0x0  }
0x12: {  	s1 =	sld [smem:$0x3F95];
	s0 =	simm.s32 @p0 $0x1  }
0x13: {  	[smem:$0x3FB0] =	sst s0;
	s0 =	simm.s32 @!p1 $0x0  }
0x14: {  	s2 =	sld [smem:$0x3F94];
	s0 =	simm.s32 @p1 $0x1  }
0x15: {  	[smem:$0x3FB1] =	sst s0;
	s0 =	simm.s32 @!p2 $0x0  }
0x16: {  	s3 =	sld [smem:$0x3FDB];
	s0 =	simm.s32 @p2 $0x1  }
0x17: {  	s4 =	simm.s32 $0x1BF5;
	[smem:$0x3FB3] =	sst s0  }
0x18: {  	s0 =	sld [smem:$0x3F96];
	_ =	swait.ge [sflag:s4], $0x0  }
0x19: {  	s7 =	sld [smem:$0x3F97]  }
0x1a: {  	s8 =	sadd.s32 $0xFFFFE003, lr  }
0x1b: {  	s9 =	sadd.s32 $0xFFFFFEF7, lr;
	s5 =	simm.s32 $0xFFFFFFFF;
	p2 =	slt.u32 s8, $0xFFFFF086  }
0x1c: {  	p1 =	slt.u32 s9, $0xF7A;
	s5 =	simm.s32 @!p2 $0x0  }
0x1d: {  	s5 =	simm.s32 @p1 $0x1;
	p0 =	seq.s32 s7, s2  }
0x1e: {  	s7 =	smul.u32 @!p0 $0xF7A, s2;
	p2 =	seq.s32 @!p0 s5, $0x0  }
0x1f: {  	s9 =	smul.u32 $0xF7A, s1;
	s8 =	simm.s32 @!p0 $0x1BF5;
	p2 =	por !p2, p0  }
0x20: {  	[sflag:s8] =	ssyncset.s32 @!p0 $0xFFFFF086;
	s6 =	sadd.s32 @!p0 s3, s7;
	s7 =	simm.s32 @!p0 $0x108  }
0x21: {  	s3 =	sadd.s32 s3, s9;
	s6 =	sadd.s32 @!p0 $0x88, s6;
	s7 =	simm.s32 @p2 $0x1082  }
0x22: {  	[simem:s7], [sflag:s8] =	dma.local @!p0 [hbm:s6], $0xF7A  }
0x23: {  	s9 =	sor.u32 $0xD0000000, s2;
	s6 =	simm.s32 $0x108;
	_ =	swait.ge @!p0 [sflag:s8], $0x0  }
0x24: {  	s3 =	sadd.s32 $0x88, s3;
	s6 =	simm.s32 @!p1 $0x1082;
	[sflag:s4] =	ssyncset.s32 $0xFFFFF086  }
0x25: {  	[simem:s6], [sflag:s4] =	dma.local [hbm:s3], $0xF7A  }
0x26: {  	[smem:$0x3F97] =	sst s1;
	(tag) =	ssettag s2;
	_ =	strace s9  }
0x27: {  	s1 =	sld [smem:$0x3FA7]  }
0x28: {  	s2 =	sld [smem:$0x3FA8]  }
0x29: {  	s4 =	sld [smem:$0x3FAA]  }
0x2a: {  	p0 =	seq.s32 s5, $0x0;
	s5 =	sld [smem:$0x3FAB]  }
0x2b: {  	s6 =	sld [smem:$0x3FAC]  }
0x2c: {  	s7 =	sld [smem:$0x3FAD]  }
0x2d: {  	s3 =	simm.s32 $0x108;
	s8 =	sld [smem:$0x3FAE]  }
0x2e: {  	s3 =	simm.s32 @!p0 $0x1082;
	s9 =	sld [smem:$0x3FAF]  }
0x2f: {  	lr =	sadd.s32 s0, s3;
	s0 =	sld [smem:$0x3FA6]  }
0x30: {  	s3 =	sld [smem:$0x3FA9]  }
0x31: {  	[smem:$0x3FB2] =	sst s10  }
0x32: {  	s10 =	sld [smem:$0x3FB0];
	_ =	sdelay $0x3  }
0x33: {  	p0 =	seq.s32 s10, $0x1;
	s10 =	sld [smem:$0x3FB2];
	_ =	sdelay $0x3  }
0x34: {  	[smem:$0x3FB2] =	sst s10  }
0x35: {  	s10 =	sld [smem:$0x3FB1];
	_ =	sdelay $0x3  }
0x36: {  	p1 =	seq.s32 s10, $0x1;
	s10 =	sld [smem:$0x3FB2];
	_ =	sdelay $0x3  }
0x37: {  	[smem:$0x3FB2] =	sst s10  }
0x38: {  	s10 =	sld [smem:$0x3FB3]  }
0x39: {  	_ = 	snop;
	(pc) =	sbr.ind lr, $3  }
0x3a: {  	_ = 	snop  }
0x3b: {  	_ = 	snop  }
0x3c: {  	p2 =	seq.s32 s10, $0x1;
	s10 =	sld [smem:$0x3FB2]  }
0x3d: {  	_ =	shalt  }
0x3e: {  	_ =	shalt  }
0x3f: {  	_ =	shalt  }
0x40: {  	_ =	shalt  }
0x41: {  	_ =	shalt  }
0x42: {  	_ =	shalt  }
0x43: {  	_ =	shalt  }
0x44: {  	_ =	shalt  }
0x45: {  	_ =	shalt  }
0x46: {  	_ =	shalt  }
0x47: {  	_ =	shalt  }
0x48: {  	_ =	shalt  }
0x49: {  	_ =	shalt  }
0x4a: {  	_ =	shalt  }
0x4b: {  	_ =	shalt  }
0x4c: {  	_ =	shalt  }
0x4d: {  	_ =	shalt  }
0x4e: {  	_ =	shalt  }
0x4f: {  	_ =	shalt  }
0x50: {  	_ =	shalt  }
0x51: {  	_ =	shalt  }
0x52: {  	_ =	shalt  }
0x53: {  	_ =	shalt  }
0x54: {  	_ =	shalt  }
0x55: {  	_ =	shalt  }
0x56: {  	_ =	shalt  }
0x57: {  	_ =	shalt  }
0x58: {  	_ =	shalt  }
0x59: {  	_ =	shalt  }
0x5a: {  	_ =	shalt  }
0x5b: {  	_ =	shalt  }
0x5c: {  	_ =	shalt  }
0x5d: {  	_ =	shalt  }
0x5e: {  	_ =	shalt  }
0x5f: {  	_ =	shalt  }
0x60: {  	_ =	shalt  }
0x61: {  	_ =	shalt  }
0x62: {  	_ =	shalt  }
0x63: {  	_ =	shalt  }
0x64: {  	_ =	shalt  }
0x65: {  	_ =	shalt  }
0x66: {  	_ =	shalt  }
0x67: {  	_ =	shalt  }
0x68: {  	_ =	shalt  }
0x69: {  	_ =	shalt  }
0x6a: {  	_ =	shalt  }
0x6b: {  	_ =	shalt  }
0x6c: {  	_ =	shalt  }
0x6d: {  	_ =	shalt  }
0x6e: {  	_ =	shalt  }
0x6f: {  	_ =	shalt  }
0x70: {  	_ =	shalt  }
0x71: {  	_ =	shalt  }
0x72: {  	_ =	shalt  }
0x73: {  	_ =	shalt  }
0x74: {  	_ =	shalt  }
0x75: {  	_ =	shalt  }
0x76: {  	_ =	shalt  }
0x77: {  	_ =	shalt  }
0x78: {  	_ =	shalt  }
0x79: {  	_ =	shalt  }
0x7a: {  	_ =	shalt  }
0x7b: {  	_ =	shalt  }
0x7c: {  	_ =	shalt  }
0x7d: {  	_ =	shalt  }
0x7e: {  	_ =	shalt  }
0x7f: {  	_ =	shalt  }
0x80: {  	_ =	shalt  }
0x81: {  	_ =	shalt  }
0x82: {  	_ =	shalt  }
0x83: {  	_ =	shalt  }
0x84: {  	_ =	shalt  }
0x85: {  	_ =	shalt  }
0x86: {  	_ =	shalt  }
0x87: {  	_ =	shalt  }
.Lfunc_end0:
.L_simem_size_0:
called_computation_lowered:
.L_overlay_start_0:
0x88: {  	s2 =	sld [smem:$0x3FD9]  }
0x89: {  	s3 =	sld [smem:$0x3FFE];
	_ =	sdelay $0x1  }
0x8a: {  	s1 =	srdreg.scid  }
0x8b: {  	s0 =	sand.u32 $0x1, s1  }
0x8c: {  	s17 =	sshll.u32 s0, $0xA;
	s2 =	sadd.s32 s3, s2  }
0x8d: {  	s2 =	sadd.s32 s2, s17  }
0x8e: {  	[smem:$0x3FBE] =	sst s2  }
0x8f: {  	_ = 	snop  }
0x90: {  	s2 =	sld [smem:$0x3FD0];
	(tm) =	ssettm $0x1  }
0x91: {  	s18 =	sld [smem:$0x3FFB];
	_ =	sdelay $0x3  }
0x92: {  	_ =	strace s18  }
0x93: {  	s3 =	sld [smem:$0x3FFC];
	_ =	sdelay $0x3  }
0x94: {  	_ =	strace s3  }
0x95: {  	s3 =	sld [smem:$0x3FFD];
	_ =	sdelay $0x3  }
0x96: {  	_ =	strace s3  }
0x97: {  	_ =	strace $0x8FFFFFFF  }
0x98: {  	s19 =	sld [smem:$0x3FDB];
	_ =	sdelay $0x1  }
0x99: {  	s4 =	simm.s32 $_scs_section_size  }
0x9a: {  	s5 =	simm.s32 $_size__tile_overlayer_lowered;
	s6 =	simm.s32 $_tile_overlayer_lowered  }
0x9b: {  	s22 =	simm.s32 $0x1BFF;
	s21 =	sshll.u32 s6, $0x1;
	s3 =	sadd.s32 s4, s19  }
0x9c: {  	s7 =	simm.s32 $0x0;
	s20 =	sshll.u32 s5, $0x1;
	s5 =	sadd.s32 s21, s3  }
0x9d: {  	[timem:s7], [sflag:s22] =	dma.local [hbm:s5], s20  }
0x9e: {  	_ =	swait.ge [sflag:s22], s20  }
0x9f: {  	s4 =	ssub.s32 $0x0, s20;
	[sflag:s22] =	ssyncset.done $0x0  }
0xa0: {  	[sflag:s22] =	ssyncadd.s32 s4;
	_ =	sdelay $0x1  }
0xa1: {  	s23 =	simm.s32 $0x1B8B  }
0xa2: {  	_ =	swait.ge [sflag:s23], $0x1  }
0xa3: {  	[sflag:s23] =	ssyncset.done $0x0  }
0xa4: {  	s25 =	simm.s32 $0x1B8E;
	s24 =	sld [smem:$0x3FFE];
	[sflag:s23] =	ssyncadd.s32 $0xFFFFFFFF  }
0xa5: {  	s26 =	simm.s32 $execute0_lowered;
	[smem:$0x3FD2] =	sst s25  }
0xa6: {  	s5 =	sshll.u32 s26, $0x1;
	_ =	strace $0x80000046;
	[dreg:$0x1] =	wrdreg $0xFFFFFFFF  }
0xa7: {  	s28 =	simm.s32 $_size_execute0_lowered;
	s3 =	sadd.s32 s3, s5;
	[dreg:$0x0] =	wrdreg $0x0  }
0xa8: {  	s5 =	sshll.u32 s28, $0x1;
	[dreg:$0x2] =	wrdreg s3  }
0xa9: {  	[dreg:$0x3] =	wrdreg s5  }
0xaa: {  	[dreg:$0x4] =	wrdreg $0xC0  }
0xab: {  	_ =	task [dreg:s7], $0x5FFFF  }
0xac: {  	[dreg:$0x1] =	wrdreg $0xFFFFFFFF  }
0xad: {  	[dreg:$0x0] =	wrdreg $0x60  }
0xae: {  	[dreg:$0x2] =	wrdreg s24  }
0xaf: {  	[dreg:$0x3] =	wrdreg s2  }
0xb0: {  	[dreg:$0x4] =	wrdreg $0x9  }
0xb1: {  	_ =	task.clear_ibuf [dreg:s7], $0x5FFFF;
	_ =	strace $0x90000046  }
0xb2: {  	s29 =	simm.s32 $0x9;
	_ =	strace $0x80000048  }
0xb3: {  	_ =	swait.ge [sflag:s29], $0x1  }
0xb4: {  	[sflag:s29] =	ssyncadd.s32 $0xFFFFFFFF  }
0xb5: {  	_ =	strace $0x90000048  }
0xb6: {  	_ =	sfence  }
0xb7: {  	s30 =	sld [smem:$0x0];
	_ =	sdelay $0x2  }
0xb8: {  	s31 =	sshll.u32 s1, $0xD;
	s1 =	sshrl.u32 s1, $0x2  }
0xb9: {  	s3 =	sand.u32 $0x4000, s31;
	s1 =	sadd.s32 s1, s30  }
0xba: {  	s0 =	sor.u32 s3, s0;
	s1 =	sshll.u32 s1, $0x11  }
0xbb: {  	s0 =	sor.u32 s1, s0  }
0xbc: {  	s0 =	sadd.s32 $0x8F2B, s0  }
0xbd: {  	[sflag:s0] =	ssyncadd.remote.s32 $0x1  }
0xbe: {  	_ =	sfence.sel $0xFFFF  }
0xbf: {  	[dreg:$0x0] =	wrdreg $0xFFFFFFFF;
	(pc) =	sbr.abs _section_cstart, $3  }
0xc0: {  	[dreg:$0x1] =	wrdreg $0xFFFFFFFF  }
0xc1: {  	_ =	task.clear_ibuf [dreg:s7], $0x2FFFF;
	_ =	strace $0x9FFFFFFF  }
0xc2: {  	(tm) =	ssettm $0x7FFFFFFF  }
0xc3: {  	_ =	shalt  }
tec
execute0_lowered:
.L_overlay_start_1:
0x0: {  	(tag) =	ssettag $0x1  }
0x1: {  	s3 =	rddreg [dreg:$0x0]  }
0x2: {  	s6 =	rddreg [dreg:$0x1]  }
0x3: {  	s0 =	rddreg [dreg:$0x2];
	s1 =	stileid.u32  }
0x4: {  	s2 =	simm.s32 $0x0;
	s5 =	srdreg.scid;
	s4 =	smul.u32 $0x50000, s1  }
0x5: {  	[smem:$0x7FF] =	sst s2;
	s5 =	sand.u32 $0x1, s5;
	s7 =	smul.u32 $0x5000, s1  }
0x6: {  	_ =	strace $0x80000047;
	s8 =	ssub.s32 $0x2, s5;
	s9 =	smul.u32 $0x2800, s5  }
0x7: {  	s5 =	smul.u32 $0x28000, s5;
	s10 =	sadd.s32 s4, s3;
	s31 =	sshrl.u32 s8, $0x1  }
0x8: {  	s3 =	sadd.s32 $0x1600, s3;
	s4 =	ssub.s32 s8, s31;
	s7 =	sadd.s32 s9, s7  }
0x9: {  	s5 =	sadd.s32 s5, s10;
	s8 =	simm.s32 $0x80;
	s9 =	simm.s32 $0x1  }
0xa: {  	s10 =	simm.s32 $0x0;
	s4 =	smax.u32 s4, $0x1;
	s7 =	sshrl.u32 s7, $0x3  }
0xb: {  	s5 =	sadd.s32 $0x41600, s5;
	s6 =	sadd.s32 s7, s6;
	s7 =	simm.s32 $0x2  }
.LBB2_1:
0xc: {  	s11 =	sadd.s32 $0x0, s6  }
0xd: {  	[tilespmem:s2], [sflag:$0x2] =	stream.linear.gather [hbm4b:s11+s2], $0x80, $0x38;
	[tilespmem:$0x4080] =	vst v63  }
0xe: {  	_ =	swait.ge [sflag:s7], $0x80  }
0xf: {  	[sflag:s7] =	ssyncset.done $0x0  }
0x10: {  	[sflag:s7] =	ssyncadd.s32 $0xFFFFFF80  }
0x11: {  	[tilespmem:s8], [sflag:$0x1] =	stream.indirect.gather [hbm4b:s3+s8], $0x80, s2, s8, $0xb8;
	[tilespmem:$0x4080] =	vst v63  }
0x12: {  	_ =	swait.ge [sflag:s9], $0x4000  }
0x13: {  	[sflag:s9] =	ssyncset.done $0x0  }
0x14: {  	[sflag:s9] =	ssyncadd.s32 $0xFFFFC000  }
0x15: {  	[hbm4b:s5+s2] =	stream.linear.scatter [tilespmem:s8], [sflag:$0x2], $0x4000, $0x38;
	[tilespmem:$0x4080] =	vst v63  }
0x16: {  	s12 =	simm.s32 $0x10;
	_ =	swait.ge [sflag:s7], $0x4000  }
0x17: {  	s13 =	simm.s32 $0x20;
	s11 =	sadd.s32 $0x800, s5;
	[sflag:s7] =	ssyncset.done $0x0  }
.LBB2_2:
0x18: {  	s14 =	sadd.s32 s12, s6  }
0x19: {  	[sflag:s7] =	ssyncadd.s32 $0xFFFFC000;
	s12 =	smov.u32 s13;
	s15 =	sadd.s32 $0x10, s13  }
0x1a: {  	[tilespmem:s2], [sflag:$0x2] =	stream.linear.gather [hbm4b:s14+s2], $0x80, $0x38;
	[tilespmem:$0x4080] =	vst v63  }
0x1b: {  	p0 =	sne.s32 s13, $0x4F0;
	_ =	swait.ge [sflag:s7], $0x80  }
0x1c: {  	[sflag:s7] =	ssyncset.done $0x0  }
0x1d: {  	[sflag:s7] =	ssyncadd.s32 $0xFFFFFF80  }
0x1e: {  	[tilespmem:s8], [sflag:$0x1] =	stream.indirect.gather [hbm4b:s3+s8], $0x80, s2, s8, $0xb8;
	[tilespmem:$0x4080] =	vst v63  }
0x1f: {  	_ =	swait.ge [sflag:s9], $0x4000  }
.Ltmp0:
0x20: {  	[sflag:s9] =	ssyncset.done $0x0;
	(pc) =	sbr.rel @p0 .LBB2_2-.Ltmp0, $4  }
0x21: {  	[sflag:s9] =	ssyncadd.s32 $0xFFFFC000  }
0x22: {  	[hbm4b:s11+s2] =	stream.linear.scatter [tilespmem:s8], [sflag:$0x2], $0x4000, $0x38;
	[tilespmem:$0x4080] =	vst v63  }
0x23: {  	_ =	swait.ge [sflag:s7], $0x4000  }
0x24: {  	s13 =	smov.u32 s15;
	s11 =	sadd.s32 $0x800, s11;
	[sflag:s7] =	ssyncset.done $0x0  }
0x25: {  	s12 =	sadd.s32 s12, s6;
	[sflag:s7] =	ssyncadd.s32 $0xFFFFC000  }
0x26: {  	[tilespmem:s2], [sflag:$0x2] =	stream.linear.gather [hbm4b:s12+s2], $0x80, $0x38;
	[tilespmem:$0x4080] =	vst v63  }
0x27: {  	_ =	swait.ge [sflag:s7], $0x80  }
0x28: {  	[sflag:s7] =	ssyncset.done $0x0  }
0x29: {  	[sflag:s7] =	ssyncadd.s32 $0xFFFFFF80  }
0x2a: {  	[tilespmem:s8], [sflag:$0x1] =	stream.indirect.gather [hbm4b:s3+s8], $0x80, s2, s8, $0xb8;
	[tilespmem:$0x4080] =	vst v63  }
0x2b: {  	s10 =	sadd.s32 $0x1, s10;
	_ =	swait.ge [sflag:s9], $0x4000  }
0x2c: {  	p0 =	sne.s32 s10, s4;
	[sflag:s9] =	ssyncset.done $0x0  }
.Ltmp1:
0x2d: {  	[sflag:s9] =	ssyncadd.s32 $0xFFFFC000;
	(pc) =	sbr.rel @p0 .LBB2_1-.Ltmp1, $4  }
0x2e: {  	[hbm4b:s11+s2] =	stream.linear.scatter [tilespmem:s8], [sflag:$0x2], $0x4000, $0x38;
	[tilespmem:$0x4080] =	vst v63  }
0x2f: {  	_ =	swait.ge [sflag:s7], $0x4000  }
0x30: {  	[sflag:s7] =	ssyncset.done $0x0  }
0x31: {  	[sflag:s7] =	ssyncadd.s32 $0xFFFFC000  }
0x32: {  	_ =	sfence.sel $0x180000  }
0x33: {  	[bflag:$0x0] =	sbarrier.arrive $0xFFFF  }
0x34: {  	p0 =	sne.s32 s1, $0x0;
	_ =	strace $0x90000047  }
0x35: {  	s0 =	sadd.s32 @!p0 $0x100000, s0;
	[bflag:$0x2] =	sbarrier.arrive $0xFFFF  }
0x36: {  	[sflag:s0] =	ssyncadd.tile.s32 @!p0 $0x1;
	_ =	shalt  }
.Lfunc_end2:
_tile_overlayer_lowered:
.L_overlay_start_2:
0x37: {  	(tag) =	ssettag $0x2  }
0x38: {  	s0 =	rddreg [dreg:$0x0];
	s2 =	stileid.u32  }
0x39: {  	s1 =	rddreg [dreg:$0x1];
	p0 =	sne.s32 s2, $0x0  }
0x3a: {  	s3 =	rddreg [dreg:$0x2];
	[bflag:$0x3] =	sbarrier.arrive $0xFFFF;
	s2 =	simm.s32 @!p0 $0x1C02  }
0x3b: {  	[timem:s3], [sflag:s2] =	dma.local @!p0 [hbm:s0], s1  }
0x3c: {  	s0 =	simm.s32 @!p0 $0x2  }
0x3d: {  	_ =	swait.ge @!p0 [sflag:s0], s1  }
0x3e: {  	s1 =	ssub.s32 @!p0 $0x0, s1;
	[sflag:s0] =	ssyncset.done @!p0 $0x0  }
0x3f: {  	[sflag:s0] =	ssyncadd.s32 @!p0 s1  }
0x40: {  	[bflag:$0x3] =	sbarrier.arrive $0xFFFF  }
0x41: {  	_ =	shalt  }

</sc_bundles>
